<compile_context>
chip_gen: v7x
topology: tpu7x:2x2x1
jax: 0.10.2.dev20260603
libtpu: 0.0.44.dev20260713+nightly
codegen_flags: <defaults>
</compile_context>

<pallas_src>
import functools

import jax
import jax.numpy as jnp
from jax import lax
from jax.experimental import pallas as pl
from jax.experimental.pallas import tpu as pltpu
from jax.experimental.pallas import tpu_sc as plsc

VOCAB = 100000
D = 128
B = 1024
L = 200
N = B * L
NC, NS = 2, 16
NW = NC * NS
PER_W = N // NW
CHUNK = 128
NCHUNK = PER_W // CHUNK
NBUF = 7
LOOKAHEAD = 5
LAG = NBUF - LOOKAHEAD

_mesh = plsc.VectorSubcoreMesh(core_axis_name="c", subcore_axis_name="s")


@functools.partial(
    pl.kernel,
    mesh=_mesh,
    out_type=jax.ShapeDtypeStruct((N, D), jnp.float32),
    scratch_types=[pltpu.VMEM((PER_W,), jnp.int32),
                   pltpu.VMEM((NBUF, CHUNK, D), jnp.float32)]
                  + [pltpu.SemaphoreType.DMA] * (2 * NBUF),
)
def _gather(w_hbm, idx_hbm, out_hbm, idx_v, rows_v, *sems):
    gsems, osems = sems[:NBUF], sems[NBUF:]
    wid = lax.axis_index("s") * NC + lax.axis_index("c")
    base = wid * PER_W
    pltpu.sync_copy(idx_hbm.at[pl.ds(base, PER_W)], idx_v)

    def gath(g, b):
        return pltpu.make_async_copy(
            w_hbm.at[idx_v.at[pl.ds(pl.multiple_of(g * CHUNK, CHUNK), CHUNK)]],
            rows_v.at[b], gsems[b])

    def outc(g, b):
        return pltpu.make_async_copy(
            rows_v.at[b], out_hbm.at[pl.ds(base + g * CHUNK, CHUNK)],
            osems[b])

    def pstep(g, r):
        gath(g, r).wait()
        outc(g, r).start()

    def prefire(g, r2):
        outc(g - LAG, r2).wait()
        gath(g + LOOKAHEAD, r2).start()

    for g in range(LOOKAHEAD):
        gath(g, g % NBUF).start()
    for g in range(LOOKAHEAD):
        pstep(g, g % NBUF)
        if g - LAG >= 0:
            prefire(g, (g + LOOKAHEAD) % NBUF)
        else:
            gath(g + LOOKAHEAD, (g + LOOKAHEAD) % NBUF).start()

    FIRST = LOOKAHEAD
    ROUNDS = (NCHUNK - 2 * LOOKAHEAD) // NBUF
    MID_END = FIRST + ROUNDS * NBUF

    def outer(t, carry):
        go = FIRST + t * NBUF
        for j in range(NBUF):
            pstep(go + j, (FIRST + j) % NBUF)
            prefire(go + j, (FIRST + j + LOOKAHEAD) % NBUF)
        return carry

    lax.fori_loop(0, ROUNDS, outer, 0)

    for g in range(MID_END, NCHUNK):
        pstep(g, g % NBUF)
        if g + LOOKAHEAD < NCHUNK:
            prefire(g, (g + LOOKAHEAD) % NBUF)
        elif g - LAG >= 0:
            outc(g - LAG, (g - LAG) % NBUF).wait()
    for g in range(NCHUNK - LAG, NCHUNK):
        outc(g, g % NBUF).wait()


def kernel(x, target, text_inputs, W):
    idx = x.reshape(-1).astype(jnp.int32)
    out = _gather(W, idx)
    return out.reshape(B, L, D)

# --- scband reference (transcript-rebuilt; emitter-appended) ---
"""Pipeline reference for scband-word-rep-62096637166423 (READ-ONLY COPY).

The authoritative reference and input builder live on the scoring server;
editing this copy changes nothing except your own understanding.
"""

import jax, jax.numpy as jnp
import numpy as np

VOCAB = 100000
EMBED_DIM = 128
B = 1024
L = 200
Y = 50

def setup_inputs(seed: int = 0) -> dict:
    key = jax.random.key(seed)
    k1, k2, k3, k4 = jax.random.split(key, 4)
    x = jax.random.randint(k1, (B, L), 0, VOCAB)
    target = jax.random.normal(k2, (B, Y), dtype=jnp.float32)
    text_inputs = jax.random.randint(k3, (B, L), 0, VOCAB)
    W = jax.random.normal(k4, (VOCAB, EMBED_DIM), dtype=jnp.float32) * 0.02
    W = W.at[0].set(0.0)  # padding_idx=0 row
    return {"x": x, "target": target, "text_inputs": text_inputs, "W": W}

def reference(x, target, text_inputs, W):
    # nn.Embedding with padding_idx=0: lookup rows of W; row 0 is the padding row
    Wp = W.at[0].set(0.0)
    embed = jnp.take(Wp, x, axis=0)  # [B, L, EMBED_DIM]
    # self.embed_drop is Dropout; identity in eval / deterministic mode
    out = embed
    return out

if __name__ == "__main__":
    import jax
    _d = setup_inputs()
    print(jax.jit(kernel)(*tuple(_d.values())))

</pallas_src>

<mosaic_0001>
#map = affine_map<(d0, d1) -> (0, 0)>
#map1 = affine_map<(d0, d1) -> (0)>
module attributes {stable_mosaic.version = 14 : i64} {
  func.func @_gather(%arg0: i32, %arg1: i32, %arg2: memref<100000x128xf32, #tpu.memory_space<hbm>>, %arg3: memref<204800xi32, #tpu.memory_space<hbm>>, %arg4: memref<204800x128xf32, #tpu.memory_space<hbm>>, %arg5: memref<6400xi32, #tpu.memory_space<vmem>>, %arg6: memref<7x128x128xf32, #tpu.memory_space<vmem>>, %arg7: memref<!tpu.dma_semaphore, #tpu.memory_space<semaphore_mem>>, %arg8: memref<!tpu.dma_semaphore, #tpu.memory_space<semaphore_mem>>, %arg9: memref<!tpu.dma_semaphore, #tpu.memory_space<semaphore_mem>>, %arg10: memref<!tpu.dma_semaphore, #tpu.memory_space<semaphore_mem>>, %arg11: memref<!tpu.dma_semaphore, #tpu.memory_space<semaphore_mem>>, %arg12: memref<!tpu.dma_semaphore, #tpu.memory_space<semaphore_mem>>, %arg13: memref<!tpu.dma_semaphore, #tpu.memory_space<semaphore_mem>>, %arg14: memref<!tpu.dma_semaphore, #tpu.memory_space<semaphore_mem>>, %arg15: memref<!tpu.dma_semaphore, #tpu.memory_space<semaphore_mem>>, %arg16: memref<!tpu.dma_semaphore, #tpu.memory_space<semaphore_mem>>, %arg17: memref<!tpu.dma_semaphore, #tpu.memory_space<semaphore_mem>>, %arg18: memref<!tpu.dma_semaphore, #tpu.memory_space<semaphore_mem>>, %arg19: memref<!tpu.dma_semaphore, #tpu.memory_space<semaphore_mem>>, %arg20: memref<!tpu.dma_semaphore, #tpu.memory_space<semaphore_mem>>) attributes {dimension_semantics = [#tpu.dimension_semantics<core_parallel>, #tpu.dimension_semantics<subcore_parallel>], iteration_bounds = array<i64: 2, 16>, scalar_prefetch = 0 : i64, scratch_operands = 16 : i64, tpu.core_type = #tpu.core_type<sc_vector_subcore>, window_params = [{transform_indices = #map}, {transform_indices = #map1}, {transform_indices = #map}]} {
    %mul3A = arith.constant 2 : i32
    %mul3A_0 = arith.muli %arg1, %mul3A : i32
    %add3A = arith.addi %mul3A_0, %arg0 : i32
    %mul3A_1 = arith.constant 6400 : i32
    %mul3A_2 = arith.muli %add3A, %mul3A_1 : i32
    "tpu.region"() ({
      %run_scoped3A = tpu.sem_alloc : memref<!tpu.dma_semaphore, #tpu.memory_space<semaphore_mem>>
      %dma_start3A_785 = tpu.memref_slice %arg3[%mul3A_2] : memref<204800xi32, #tpu.memory_space<hbm>> -> memref<6400xi32, #tpu.memory_space<hbm>>
      %dma_start3A_786 = tpu.memref_slice %arg3[%mul3A_2] : memref<204800xi32, #tpu.memory_space<hbm>> -> memref<6400xi32, #tpu.memory_space<hbm>>
      tpu.enqueue_dma source(%dma_start3A_786 : memref<6400xi32, #tpu.memory_space<hbm>>) target(%arg5 : memref<6400xi32, #tpu.memory_space<vmem>>) target_semaphore(%run_scoped3A : memref<!tpu.dma_semaphore, #tpu.memory_space<semaphore_mem>>)
      %dma_wait3A_787 = tpu.memref_slice %arg3[%mul3A_2] : memref<204800xi32, #tpu.memory_space<hbm>> -> memref<6400xi32, #tpu.memory_space<hbm>>
      %dma_wait3A_788 = tpu.memref_slice %arg3[%mul3A_2] : memref<204800xi32, #tpu.memory_space<hbm>> -> memref<6400xi32, #tpu.memory_space<hbm>>
      tpu.wait_dma2 semaphore(%run_scoped3A : memref<!tpu.dma_semaphore, #tpu.memory_space<semaphore_mem>>) src(%dma_wait3A_788 : memref<6400xi32, #tpu.memory_space<hbm>>) dst(%arg5 : memref<6400xi32, #tpu.memory_space<vmem>>)
      tpu.yield
    }) : () -> ()
    %multiple_of3A = arith.constant 0 : i32
    %multiple_of3A_3 = tpu.assume_multiple %multiple_of3A, 128 : i32
    %dma_start3A = arith.constant 0 : i32
    %dma_start3A_4 = arith.constant 0 : i32
    %dma_start3A_5 = arith.constant 0 : i32
    %dma_start3A_6 = tpu.memref_slice %arg6[%dma_start3A, %dma_start3A_4, %dma_start3A_5] : memref<7x128x128xf32, #tpu.memory_space<vmem>> -> memref<1x128x128xf32, #tpu.memory_space<vmem>>
    %dma_start3A_7 = tpu.memref_squeeze %dma_start3A_6 : memref<1x128x128xf32, #tpu.memory_space<vmem>> -> memref<128x128xf32, #tpu.memory_space<vmem>>
    %dma_start3A_8 = tpu.memref_slice %arg5[%multiple_of3A_3] : memref<6400xi32, #tpu.memory_space<vmem>> -> memref<128xi32, #tpu.memory_space<vmem>>
    %dma_start3A_9 = arith.constant 0 : i32
    %dma_start3A_10 = arith.constant 0 : i32
    %dma_start3A_11 = tpu.memref_slice %arg2[%dma_start3A_9, %dma_start3A_10] : memref<100000x128xf32, #tpu.memory_space<hbm>> -> memref<100000x128xf32, #tpu.memory_space<hbm>>
    tpu.enqueue_indirect_dma source(%dma_start3A_11 : memref<100000x128xf32, #tpu.memory_space<hbm>>) target(%dma_start3A_7 : memref<128x128xf32, #tpu.memory_space<vmem>>) offsets(%dma_start3A_8 : memref<128xi32, #tpu.memory_space<vmem>>) semaphore(%arg7 : memref<!tpu.dma_semaphore, #tpu.memory_space<semaphore_mem>>)
    %multiple_of3A_12 = arith.constant 128 : i32
    %multiple_of3A_13 = tpu.assume_multiple %multiple_of3A_12, 128 : i32
    %dma_start3A_14 = arith.constant 1 : i32
    %dma_start3A_15 = arith.constant 0 : i32
    %dma_start3A_16 = arith.constant 0 : i32
    %dma_start3A_17 = tpu.memref_slice %arg6[%dma_start3A_14, %dma_start3A_15, %dma_start3A_16] : memref<7x128x128xf32, #tpu.memory_space<vmem>> -> memref<1x128x128xf32, #tpu.memory_space<vmem>>
    %dma_start3A_18 = tpu.memref_squeeze %dma_start3A_17 : memref<1x128x128xf32, #tpu.memory_space<vmem>> -> memref<128x128xf32, #tpu.memory_space<vmem>>
    %dma_start3A_19 = tpu.memref_slice %arg5[%multiple_of3A_13] : memref<6400xi32, #tpu.memory_space<vmem>> -> memref<128xi32, #tpu.memory_space<vmem>>
    %dma_start3A_20 = arith.constant 0 : i32
    %dma_start3A_21 = arith.constant 0 : i32
    %dma_start3A_22 = tpu.memref_slice %arg2[%dma_start3A_20, %dma_start3A_21] : memref<100000x128xf32, #tpu.memory_space<hbm>> -> memref<100000x128xf32, #tpu.memory_space<hbm>>
    tpu.enqueue_indirect_dma source(%dma_start3A_22 : memref<100000x128xf32, #tpu.memory_space<hbm>>) target(%dma_start3A_18 : memref<128x128xf32, #tpu.memory_space<vmem>>) offsets(%dma_start3A_19 : memref<128xi32, #tpu.memory_space<vmem>>) semaphore(%arg8 : memref<!tpu.dma_semaphore, #tpu.memory_space<semaphore_mem>>)
    %multiple_of3A_23 = arith.constant 256 : i32
    %multiple_of3A_24 = tpu.assume_multiple %multiple_of3A_23, 128 : i32
    %dma_start3A_25 = arith.constant 2 : i32
    %dma_start3A_26 = arith.constant 0 : i32
    %dma_start3A_27 = arith.constant 0 : i32
    %dma_start3A_28 = tpu.memref_slice %arg6[%dma_start3A_25, %dma_start3A_26, %dma_start3A_27] : memref<7x128x128xf32, #tpu.memory_space<vmem>> -> memref<1x128x128xf32, #tpu.memory_space<vmem>>
    %dma_start3A_29 = tpu.memref_squeeze %dma_start3A_28 : memref<1x128x128xf32, #tpu.memory_space<vmem>> -> memref<128x128xf32, #tpu.memory_space<vmem>>
    %dma_start3A_30 = tpu.memref_slice %arg5[%multiple_of3A_24] : memref<6400xi32, #tpu.memory_space<vmem>> -> memref<128xi32, #tpu.memory_space<vmem>>
    %dma_start3A_31 = arith.constant 0 : i32
    %dma_start3A_32 = arith.constant 0 : i32
    %dma_start3A_33 = tpu.memref_slice %arg2[%dma_start3A_31, %dma_start3A_32] : memref<100000x128xf32, #tpu.memory_space<hbm>> -> memref<100000x128xf32, #tpu.memory_space<hbm>>
    tpu.enqueue_indirect_dma source(%dma_start3A_33 : memref<100000x128xf32, #tpu.memory_space<hbm>>) target(%dma_start3A_29 : memref<128x128xf32, #tpu.memory_space<vmem>>) offsets(%dma_start3A_30 : memref<128xi32, #tpu.memory_space<vmem>>) semaphore(%arg9 : memref<!tpu.dma_semaphore, #tpu.memory_space<semaphore_mem>>)
    %multiple_of3A_34 = arith.constant 384 : i32
    %multiple_of3A_35 = tpu.assume_multiple %multiple_of3A_34, 128 : i32
    %dma_start3A_36 = arith.constant 3 : i32
    %dma_start3A_37 = arith.constant 0 : i32
    %dma_start3A_38 = arith.constant 0 : i32
    %dma_start3A_39 = tpu.memref_slice %arg6[%dma_start3A_36, %dma_start3A_37, %dma_start3A_38] : memref<7x128x128xf32, #tpu.memory_space<vmem>> -> memref<1x128x128xf32, #tpu.memory_space<vmem>>
    %dma_start3A_40 = tpu.memref_squeeze %dma_start3A_39 : memref<1x128x128xf32, #tpu.memory_space<vmem>> -> memref<128x128xf32, #tpu.memory_space<vmem>>
    %dma_start3A_41 = tpu.memref_slice %arg5[%multiple_of3A_35] : memref<6400xi32, #tpu.memory_space<vmem>> -> memref<128xi32, #tpu.memory_space<vmem>>
    %dma_start3A_42 = arith.constant 0 : i32
    %dma_start3A_43 = arith.constant 0 : i32
    %dma_start3A_44 = tpu.memref_slice %arg2[%dma_start3A_42, %dma_start3A_43] : memref<100000x128xf32, #tpu.memory_space<hbm>> -> memref<100000x128xf32, #tpu.memory_space<hbm>>
    tpu.enqueue_indirect_dma source(%dma_start3A_44 : memref<100000x128xf32, #tpu.memory_space<hbm>>) target(%dma_start3A_40 : memref<128x128xf32, #tpu.memory_space<vmem>>) offsets(%dma_start3A_41 : memref<128xi32, #tpu.memory_space<vmem>>) semaphore(%arg10 : memref<!tpu.dma_semaphore, #tpu.memory_space<semaphore_mem>>)
    %multiple_of3A_45 = arith.constant 512 : i32
    %multiple_of3A_46 = tpu.assume_multiple %multiple_of3A_45, 128 : i32
    %dma_start3A_47 = arith.constant 4 : i32
    %dma_start3A_48 = arith.constant 0 : i32
    %dma_start3A_49 = arith.constant 0 : i32
    %dma_start3A_50 = tpu.memref_slice %arg6[%dma_start3A_47, %dma_start3A_48, %dma_start3A_49] : memref<7x128x128xf32, #tpu.memory_space<vmem>> -> memref<1x128x128xf32, #tpu.memory_space<vmem>>
    %dma_start3A_51 = tpu.memref_squeeze %dma_start3A_50 : memref<1x128x128xf32, #tpu.memory_space<vmem>> -> memref<128x128xf32, #tpu.memory_space<vmem>>
    %dma_start3A_52 = tpu.memref_slice %arg5[%multiple_of3A_46] : memref<6400xi32, #tpu.memory_space<vmem>> -> memref<128xi32, #tpu.memory_space<vmem>>
    %dma_start3A_53 = arith.constant 0 : i32
    %dma_start3A_54 = arith.constant 0 : i32
    %dma_start3A_55 = tpu.memref_slice %arg2[%dma_start3A_53, %dma_start3A_54] : memref<100000x128xf32, #tpu.memory_space<hbm>> -> memref<100000x128xf32, #tpu.memory_space<hbm>>
    tpu.enqueue_indirect_dma source(%dma_start3A_55 : memref<100000x128xf32, #tpu.memory_space<hbm>>) target(%dma_start3A_51 : memref<128x128xf32, #tpu.memory_space<vmem>>) offsets(%dma_start3A_52 : memref<128xi32, #tpu.memory_space<vmem>>) semaphore(%arg11 : memref<!tpu.dma_semaphore, #tpu.memory_space<semaphore_mem>>)
    %multiple_of3A_56 = arith.constant 0 : i32
    %multiple_of3A_57 = tpu.assume_multiple %multiple_of3A_56, 128 : i32
    %dma_wait3A = arith.constant 0 : i32
    %dma_wait3A_58 = arith.constant 0 : i32
    %dma_wait3A_59 = arith.constant 0 : i32
    %dma_wait3A_60 = tpu.memref_slice %arg6[%dma_wait3A, %dma_wait3A_58, %dma_wait3A_59] : memref<7x128x128xf32, #tpu.memory_space<vmem>> -> memref<1x128x128xf32, #tpu.memory_space<vmem>>
    %dma_wait3A_61 = tpu.memref_squeeze %dma_wait3A_60 : memref<1x128x128xf32, #tpu.memory_space<vmem>> -> memref<128x128xf32, #tpu.memory_space<vmem>>
    %dma_wait3A_62 = tpu.memref_slice %arg5[%multiple_of3A_57] : memref<6400xi32, #tpu.memory_space<vmem>> -> memref<128xi32, #tpu.memory_space<vmem>>
    %dma_wait3A_63 = arith.constant 0 : i32
    %dma_wait3A_64 = arith.constant 0 : i32
    %dma_wait3A_65 = tpu.memref_slice %arg2[%dma_wait3A_63, %dma_wait3A_64] : memref<100000x128xf32, #tpu.memory_space<hbm>> -> memref<100000x128xf32, #tpu.memory_space<hbm>>
    tpu.wait_indirect_dma semaphore(%arg7 : memref<!tpu.dma_semaphore, #tpu.memory_space<semaphore_mem>>) src(%dma_wait3A_65 : memref<100000x128xf32, #tpu.memory_space<hbm>>) dst(%dma_wait3A_61 : memref<128x128xf32, #tpu.memory_space<vmem>>)
    %add3A_66 = arith.constant 0 : i32
    %add3A_67 = arith.addi %mul3A_2, %add3A_66 : i32
    %dma_start3A_68 = arith.constant 0 : i32
    %dma_start3A_69 = arith.constant 0 : i32
    %dma_start3A_70 = arith.constant 0 : i32
    %dma_start3A_71 = tpu.memref_slice %arg6[%dma_start3A_68, %dma_start3A_69, %dma_start3A_70] : memref<7x128x128xf32, #tpu.memory_space<vmem>> -> memref<1x128x128xf32, #tpu.memory_space<vmem>>
    %dma_start3A_72 = tpu.memref_squeeze %dma_start3A_71 : memref<1x128x128xf32, #tpu.memory_space<vmem>> -> memref<128x128xf32, #tpu.memory_space<vmem>>
    %dma_start3A_73 = arith.constant 0 : i32
    %dma_start3A_74 = tpu.memref_slice %arg4[%add3A_67, %dma_start3A_73] : memref<204800x128xf32, #tpu.memory_space<hbm>> -> memref<128x128xf32, #tpu.memory_space<hbm>>
    %dma_start3A_75 = arith.constant 0 : i32
    %dma_start3A_76 = tpu.memref_slice %arg4[%add3A_67, %dma_start3A_75] : memref<204800x128xf32, #tpu.memory_space<hbm>> -> memref<128x128xf32, #tpu.memory_space<hbm>>
    %dma_start3A_77 = arith.constant 0 : i32
    %dma_start3A_78 = arith.constant 0 : i32
    %dma_start3A_79 = tpu.memref_slice %arg6[%dma_start3A_68, %dma_start3A_77, %dma_start3A_78] : memref<7x128x128xf32, #tpu.memory_space<vmem>> -> memref<1x128x128xf32, #tpu.memory_space<vmem>>
    %dma_start3A_80 = tpu.memref_squeeze %dma_start3A_79 : memref<1x128x128xf32, #tpu.memory_space<vmem>> -> memref<128x128xf32, #tpu.memory_space<vmem>>
    tpu.enqueue_dma source(%dma_start3A_80 : memref<128x128xf32, #tpu.memory_space<vmem>>) target(%dma_start3A_76 : memref<128x128xf32, #tpu.memory_space<hbm>>) target_semaphore(%arg14 : memref<!tpu.dma_semaphore, #tpu.memory_space<semaphore_mem>>)
    %multiple_of3A_81 = arith.constant 640 : i32
    %multiple_of3A_82 = tpu.assume_multiple %multiple_of3A_81, 128 : i32
    %dma_start3A_83 = arith.constant 5 : i32
    %dma_start3A_84 = arith.constant 0 : i32
    %dma_start3A_85 = arith.constant 0 : i32
    %dma_start3A_86 = tpu.memref_slice %arg6[%dma_start3A_83, %dma_start3A_84, %dma_start3A_85] : memref<7x128x128xf32, #tpu.memory_space<vmem>> -> memref<1x128x128xf32, #tpu.memory_space<vmem>>
    %dma_start3A_87 = tpu.memref_squeeze %dma_start3A_86 : memref<1x128x128xf32, #tpu.memory_space<vmem>> -> memref<128x128xf32, #tpu.memory_space<vmem>>
    %dma_start3A_88 = tpu.memref_slice %arg5[%multiple_of3A_82] : memref<6400xi32, #tpu.memory_space<vmem>> -> memref<128xi32, #tpu.memory_space<vmem>>
    %dma_start3A_89 = arith.constant 0 : i32
    %dma_start3A_90 = arith.constant 0 : i32
    %dma_start3A_91 = tpu.memref_slice %arg2[%dma_start3A_89, %dma_start3A_90] : memref<100000x128xf32, #tpu.memory_space<hbm>> -> memref<100000x128xf32, #tpu.memory_space<hbm>>
    tpu.enqueue_indirect_dma source(%dma_start3A_91 : memref<100000x128xf32, #tpu.memory_space<hbm>>) target(%dma_start3A_87 : memref<128x128xf32, #tpu.memory_space<vmem>>) offsets(%dma_start3A_88 : memref<128xi32, #tpu.memory_space<vmem>>) semaphore(%arg12 : memref<!tpu.dma_semaphore, #tpu.memory_space<semaphore_mem>>)
    %multiple_of3A_92 = arith.constant 128 : i32
    %multiple_of3A_93 = tpu.assume_multiple %multiple_of3A_92, 128 : i32
    %dma_wait3A_94 = arith.constant 1 : i32
    %dma_wait3A_95 = arith.constant 0 : i32
    %dma_wait3A_96 = arith.constant 0 : i32
    %dma_wait3A_97 = tpu.memref_slice %arg6[%dma_wait3A_94, %dma_wait3A_95, %dma_wait3A_96] : memref<7x128x128xf32, #tpu.memory_space<vmem>> -> memref<1x128x128xf32, #tpu.memory_space<vmem>>
    %dma_wait3A_98 = tpu.memref_squeeze %dma_wait3A_97 : memref<1x128x128xf32, #tpu.memory_space<vmem>> -> memref<128x128xf32, #tpu.memory_space<vmem>>
    %dma_wait3A_99 = tpu.memref_slice %arg5[%multiple_of3A_93] : memref<6400xi32, #tpu.memory_space<vmem>> -> memref<128xi32, #tpu.memory_space<vmem>>
    %dma_wait3A_100 = arith.constant 0 : i32
    %dma_wait3A_101 = arith.constant 0 : i32
    %dma_wait3A_102 = tpu.memref_slice %arg2[%dma_wait3A_100, %dma_wait3A_101] : memref<100000x128xf32, #tpu.memory_space<hbm>> -> memref<100000x128xf32, #tpu.memory_space<hbm>>
    tpu.wait_indirect_dma semaphore(%arg8 : memref<!tpu.dma_semaphore, #tpu.memory_space<semaphore_mem>>) src(%dma_wait3A_102 : memref<100000x128xf32, #tpu.memory_space<hbm>>) dst(%dma_wait3A_98 : memref<128x128xf32, #tpu.memory_space<vmem>>)
    %add3A_103 = arith.constant 128 : i32
    %add3A_104 = arith.addi %mul3A_2, %add3A_103 : i32
    %dma_start3A_105 = arith.constant 1 : i32
    %dma_start3A_106 = arith.constant 0 : i32
    %dma_start3A_107 = arith.constant 0 : i32
    %dma_start3A_108 = tpu.memref_slice %arg6[%dma_start3A_105, %dma_start3A_106, %dma_start3A_107] : memref<7x128x128xf32, #tpu.memory_space<vmem>> -> memref<1x128x128xf32, #tpu.memory_space<vmem>>
    %dma_start3A_109 = tpu.memref_squeeze %dma_start3A_108 : memref<1x128x128xf32, #tpu.memory_space<vmem>> -> memref<128x128xf32, #tpu.memory_space<vmem>>
    %dma_start3A_110 = arith.constant 0 : i32
    %dma_start3A_111 = tpu.memref_slice %arg4[%add3A_104, %dma_start3A_110] : memref<204800x128xf32, #tpu.memory_space<hbm>> -> memref<128x128xf32, #tpu.memory_space<hbm>>
    %dma_start3A_112 = arith.constant 0 : i32
    %dma_start3A_113 = tpu.memref_slice %arg4[%add3A_104, %dma_start3A_112] : memref<204800x128xf32, #tpu.memory_space<hbm>> -> memref<128x128xf32, #tpu.memory_space<hbm>>
    %dma_start3A_114 = arith.constant 0 : i32
    %dma_start3A_115 = arith.constant 0 : i32
    %dma_start3A_116 = tpu.memref_slice %arg6[%dma_start3A_105, %dma_start3A_114, %dma_start3A_115] : memref<7x128x128xf32, #tpu.memory_space<vmem>> -> memref<1x128x128xf32, #tpu.memory_space<vmem>>
    %dma_start3A_117 = tpu.memref_squeeze %dma_start3A_116 : memref<1x128x128xf32, #tpu.memory_space<vmem>> -> memref<128x128xf32, #tpu.memory_space<vmem>>
    tpu.enqueue_dma source(%dma_start3A_117 : memref<128x128xf32, #tpu.memory_space<vmem>>) target(%dma_start3A_113 : memref<128x128xf32, #tpu.memory_space<hbm>>) target_semaphore(%arg15 : memref<!tpu.dma_semaphore, #tpu.memory_space<semaphore_mem>>)
    %multiple_of3A_118 = arith.constant 768 : i32
    %multiple_of3A_119 = tpu.assume_multiple %multiple_of3A_118, 128 : i32
    %dma_start3A_120 = arith.constant 6 : i32
    %dma_start3A_121 = arith.constant 0 : i32
    %dma_start3A_122 = arith.constant 0 : i32
    %dma_start3A_123 = tpu.memref_slice %arg6[%dma_start3A_120, %dma_start3A_121, %dma_start3A_122] : memref<7x128x128xf32, #tpu.memory_space<vmem>> -> memref<1x128x128xf32, #tpu.memory_space<vmem>>
    %dma_start3A_124 = tpu.memref_squeeze %dma_start3A_123 : memref<1x128x128xf32, #tpu.memory_space<vmem>> -> memref<128x128xf32, #tpu.memory_space<vmem>>
    %dma_start3A_125 = tpu.memref_slice %arg5[%multiple_of3A_119] : memref<6400xi32, #tpu.memory_space<vmem>> -> memref<128xi32, #tpu.memory_space<vmem>>
    %dma_start3A_126 = arith.constant 0 : i32
    %dma_start3A_127 = arith.constant 0 : i32
    %dma_start3A_128 = tpu.memref_slice %arg2[%dma_start3A_126, %dma_start3A_127] : memref<100000x128xf32, #tpu.memory_space<hbm>> -> memref<100000x128xf32, #tpu.memory_space<hbm>>
    tpu.enqueue_indirect_dma source(%dma_start3A_128 : memref<100000x128xf32, #tpu.memory_space<hbm>>) target(%dma_start3A_124 : memref<128x128xf32, #tpu.memory_space<vmem>>) offsets(%dma_start3A_125 : memref<128xi32, #tpu.memory_space<vmem>>) semaphore(%arg13 : memref<!tpu.dma_semaphore, #tpu.memory_space<semaphore_mem>>)
    %multiple_of3A_129 = arith.constant 256 : i32
    %multiple_of3A_130 = tpu.assume_multiple %multiple_of3A_129, 128 : i32
    %dma_wait3A_131 = arith.constant 2 : i32
    %dma_wait3A_132 = arith.constant 0 : i32
    %dma_wait3A_133 = arith.constant 0 : i32
    %dma_wait3A_134 = tpu.memref_slice %arg6[%dma_wait3A_131, %dma_wait3A_132, %dma_wait3A_133] : memref<7x128x128xf32, #tpu.memory_space<vmem>> -> memref<1x128x128xf32, #tpu.memory_space<vmem>>
    %dma_wait3A_135 = tpu.memref_squeeze %dma_wait3A_134 : memref<1x128x128xf32, #tpu.memory_space<vmem>> -> memref<128x128xf32, #tpu.memory_space<vmem>>
    %dma_wait3A_136 = tpu.memref_slice %arg5[%multiple_of3A_130] : memref<6400xi32, #tpu.memory_space<vmem>> -> memref<128xi32, #tpu.memory_space<vmem>>
    %dma_wait3A_137 = arith.constant 0 : i32
    %dma_wait3A_138 = arith.constant 0 : i32
    %dma_wait3A_139 = tpu.memref_slice %arg2[%dma_wait3A_137, %dma_wait3A_138] : memref<100000x128xf32, #tpu.memory_space<hbm>> -> memref<100000x128xf32, #tpu.memory_space<hbm>>
    tpu.wait_indirect_dma semaphore(%arg9 : memref<!tpu.dma_semaphore, #tpu.memory_space<semaphore_mem>>) src(%dma_wait3A_139 : memref<100000x128xf32, #tpu.memory_space<hbm>>) dst(%dma_wait3A_135 : memref<128x128xf32, #tpu.memory_space<vmem>>)
    %add3A_140 = arith.constant 256 : i32
    %add3A_141 = arith.addi %mul3A_2, %add3A_140 : i32
    %dma_start3A_142 = arith.constant 2 : i32
    %dma_start3A_143 = arith.constant 0 : i32
    %dma_start3A_144 = arith.constant 0 : i32
    %dma_start3A_145 = tpu.memref_slice %arg6[%dma_start3A_142, %dma_start3A_143, %dma_start3A_144] : memref<7x128x128xf32, #tpu.memory_space<vmem>> -> memref<1x128x128xf32, #tpu.memory_space<vmem>>
    %dma_start3A_146 = tpu.memref_squeeze %dma_start3A_145 : memref<1x128x128xf32, #tpu.memory_space<vmem>> -> memref<128x128xf32, #tpu.memory_space<vmem>>
    %dma_start3A_147 = arith.constant 0 : i32
    %dma_start3A_148 = tpu.memref_slice %arg4[%add3A_141, %dma_start3A_147] : memref<204800x128xf32, #tpu.memory_space<hbm>> -> memref<128x128xf32, #tpu.memory_space<hbm>>
    %dma_start3A_149 = arith.constant 0 : i32
    %dma_start3A_150 = tpu.memref_slice %arg4[%add3A_141, %dma_start3A_149] : memref<204800x128xf32, #tpu.memory_space<hbm>> -> memref<128x128xf32, #tpu.memory_space<hbm>>
    %dma_start3A_151 = arith.constant 0 : i32
    %dma_start3A_152 = arith.constant 0 : i32
    %dma_start3A_153 = tpu.memref_slice %arg6[%dma_start3A_142, %dma_start3A_151, %dma_start3A_152] : memref<7x128x128xf32, #tpu.memory_space<vmem>> -> memref<1x128x128xf32, #tpu.memory_space<vmem>>
    %dma_start3A_154 = tpu.memref_squeeze %dma_start3A_153 : memref<1x128x128xf32, #tpu.memory_space<vmem>> -> memref<128x128xf32, #tpu.memory_space<vmem>>
    tpu.enqueue_dma source(%dma_start3A_154 : memref<128x128xf32, #tpu.memory_space<vmem>>) target(%dma_start3A_150 : memref<128x128xf32, #tpu.memory_space<hbm>>) target_semaphore(%arg16 : memref<!tpu.dma_semaphore, #tpu.memory_space<semaphore_mem>>)
    %add3A_155 = arith.constant 0 : i32
    %add3A_156 = arith.addi %mul3A_2, %add3A_155 : i32
    %dma_wait3A_157 = arith.constant 0 : i32
    %dma_wait3A_158 = arith.constant 0 : i32
    %dma_wait3A_159 = arith.constant 0 : i32
    %dma_wait3A_160 = tpu.memref_slice %arg6[%dma_wait3A_157, %dma_wait3A_158, %dma_wait3A_159] : memref<7x128x128xf32, #tpu.memory_space<vmem>> -> memref<1x128x128xf32, #tpu.memory_space<vmem>>
    %dma_wait3A_161 = tpu.memref_squeeze %dma_wait3A_160 : memref<1x128x128xf32, #tpu.memory_space<vmem>> -> memref<128x128xf32, #tpu.memory_space<vmem>>
    %dma_wait3A_162 = arith.constant 0 : i32
    %dma_wait3A_163 = tpu.memref_slice %arg4[%add3A_156, %dma_wait3A_162] : memref<204800x128xf32, #tpu.memory_space<hbm>> -> memref<128x128xf32, #tpu.memory_space<hbm>>
    %dma_wait3A_164 = arith.constant 0 : i32
    %dma_wait3A_165 = tpu.memref_slice %arg4[%add3A_156, %dma_wait3A_164] : memref<204800x128xf32, #tpu.memory_space<hbm>> -> memref<128x128xf32, #tpu.memory_space<hbm>>
    %dma_wait3A_166 = arith.constant 0 : i32
    %dma_wait3A_167 = arith.constant 0 : i32
    %dma_wait3A_168 = tpu.memref_slice %arg6[%dma_wait3A_157, %dma_wait3A_166, %dma_wait3A_167] : memref<7x128x128xf32, #tpu.memory_space<vmem>> -> memref<1x128x128xf32, #tpu.memory_space<vmem>>
    %dma_wait3A_169 = tpu.memref_squeeze %dma_wait3A_168 : memref<1x128x128xf32, #tpu.memory_space<vmem>> -> memref<128x128xf32, #tpu.memory_space<vmem>>
    tpu.wait_dma2 semaphore(%arg14 : memref<!tpu.dma_semaphore, #tpu.memory_space<semaphore_mem>>) src(%dma_wait3A_169 : memref<128x128xf32, #tpu.memory_space<vmem>>) dst(%dma_wait3A_165 : memref<128x128xf32, #tpu.memory_space<hbm>>)
    %multiple_of3A_170 = arith.constant 896 : i32
    %multiple_of3A_171 = tpu.assume_multiple %multiple_of3A_170, 128 : i32
    %dma_start3A_172 = arith.constant 0 : i32
    %dma_start3A_173 = arith.constant 0 : i32
    %dma_start3A_174 = arith.constant 0 : i32
    %dma_start3A_175 = tpu.memref_slice %arg6[%dma_start3A_172, %dma_start3A_173, %dma_start3A_174] : memref<7x128x128xf32, #tpu.memory_space<vmem>> -> memref<1x128x128xf32, #tpu.memory_space<vmem>>
    %dma_start3A_176 = tpu.memref_squeeze %dma_start3A_175 : memref<1x128x128xf32, #tpu.memory_space<vmem>> -> memref<128x128xf32, #tpu.memory_space<vmem>>
    %dma_start3A_177 = tpu.memref_slice %arg5[%multiple_of3A_171] : memref<6400xi32, #tpu.memory_space<vmem>> -> memref<128xi32, #tpu.memory_space<vmem>>
    %dma_start3A_178 = arith.constant 0 : i32
    %dma_start3A_179 = arith.constant 0 : i32
    %dma_start3A_180 = tpu.memref_slice %arg2[%dma_start3A_178, %dma_start3A_179] : memref<100000x128xf32, #tpu.memory_space<hbm>> -> memref<100000x128xf32, #tpu.memory_space<hbm>>
    tpu.enqueue_indirect_dma source(%dma_start3A_180 : memref<100000x128xf32, #tpu.memory_space<hbm>>) target(%dma_start3A_176 : memref<128x128xf32, #tpu.memory_space<vmem>>) offsets(%dma_start3A_177 : memref<128xi32, #tpu.memory_space<vmem>>) semaphore(%arg7 : memref<!tpu.dma_semaphore, #tpu.memory_space<semaphore_mem>>)
    %multiple_of3A_181 = arith.constant 384 : i32
    %multiple_of3A_182 = tpu.assume_multiple %multiple_of3A_181, 128 : i32
    %dma_wait3A_183 = arith.constant 3 : i32
    %dma_wait3A_184 = arith.constant 0 : i32
    %dma_wait3A_185 = arith.constant 0 : i32
    %dma_wait3A_186 = tpu.memref_slice %arg6[%dma_wait3A_183, %dma_wait3A_184, %dma_wait3A_185] : memref<7x128x128xf32, #tpu.memory_space<vmem>> -> memref<1x128x128xf32, #tpu.memory_space<vmem>>
    %dma_wait3A_187 = tpu.memref_squeeze %dma_wait3A_186 : memref<1x128x128xf32, #tpu.memory_space<vmem>> -> memref<128x128xf32, #tpu.memory_space<vmem>>
    %dma_wait3A_188 = tpu.memref_slice %arg5[%multiple_of3A_182] : memref<6400xi32, #tpu.memory_space<vmem>> -> memref<128xi32, #tpu.memory_space<vmem>>
    %dma_wait3A_189 = arith.constant 0 : i32
    %dma_wait3A_190 = arith.constant 0 : i32
    %dma_wait3A_191 = tpu.memref_slice %arg2[%dma_wait3A_189, %dma_wait3A_190] : memref<100000x128xf32, #tpu.memory_space<hbm>> -> memref<100000x128xf32, #tpu.memory_space<hbm>>
    tpu.wait_indirect_dma semaphore(%arg10 : memref<!tpu.dma_semaphore, #tpu.memory_space<semaphore_mem>>) src(%dma_wait3A_191 : memref<100000x128xf32, #tpu.memory_space<hbm>>) dst(%dma_wait3A_187 : memref<128x128xf32, #tpu.memory_space<vmem>>)
    %add3A_192 = arith.constant 384 : i32
    %add3A_193 = arith.addi %mul3A_2, %add3A_192 : i32
    %dma_start3A_194 = arith.constant 3 : i32
    %dma_start3A_195 = arith.constant 0 : i32
    %dma_start3A_196 = arith.constant 0 : i32
    %dma_start3A_197 = tpu.memref_slice %arg6[%dma_start3A_194, %dma_start3A_195, %dma_start3A_196] : memref<7x128x128xf32, #tpu.memory_space<vmem>> -> memref<1x128x128xf32, #tpu.memory_space<vmem>>
    %dma_start3A_198 = tpu.memref_squeeze %dma_start3A_197 : memref<1x128x128xf32, #tpu.memory_space<vmem>> -> memref<128x128xf32, #tpu.memory_space<vmem>>
    %dma_start3A_199 = arith.constant 0 : i32
    %dma_start3A_200 = tpu.memref_slice %arg4[%add3A_193, %dma_start3A_199] : memref<204800x128xf32, #tpu.memory_space<hbm>> -> memref<128x128xf32, #tpu.memory_space<hbm>>
    %dma_start3A_201 = arith.constant 0 : i32
    %dma_start3A_202 = tpu.memref_slice %arg4[%add3A_193, %dma_start3A_201] : memref<204800x128xf32, #tpu.memory_space<hbm>> -> memref<128x128xf32, #tpu.memory_space<hbm>>
    %dma_start3A_203 = arith.constant 0 : i32
    %dma_start3A_204 = arith.constant 0 : i32
    %dma_start3A_205 = tpu.memref_slice %arg6[%dma_start3A_194, %dma_start3A_203, %dma_start3A_204] : memref<7x128x128xf32, #tpu.memory_space<vmem>> -> memref<1x128x128xf32, #tpu.memory_space<vmem>>
    %dma_start3A_206 = tpu.memref_squeeze %dma_start3A_205 : memref<1x128x128xf32, #tpu.memory_space<vmem>> -> memref<128x128xf32, #tpu.memory_space<vmem>>
    tpu.enqueue_dma source(%dma_start3A_206 : memref<128x128xf32, #tpu.memory_space<vmem>>) target(%dma_start3A_202 : memref<128x128xf32, #tpu.memory_space<hbm>>) target_semaphore(%arg17 : memref<!tpu.dma_semaphore, #tpu.memory_space<semaphore_mem>>)
    %add3A_207 = arith.constant 128 : i32
    %add3A_208 = arith.addi %mul3A_2, %add3A_207 : i32
    %dma_wait3A_209 = arith.constant 1 : i32
    %dma_wait3A_210 = arith.constant 0 : i32
    %dma_wait3A_211 = arith.constant 0 : i32
    %dma_wait3A_212 = tpu.memref_slice %arg6[%dma_wait3A_209, %dma_wait3A_210, %dma_wait3A_211] : memref<7x128x128xf32, #tpu.memory_space<vmem>> -> memref<1x128x128xf32, #tpu.memory_space<vmem>>
    %dma_wait3A_213 = tpu.memref_squeeze %dma_wait3A_212 : memref<1x128x128xf32, #tpu.memory_space<vmem>> -> memref<128x128xf32, #tpu.memory_space<vmem>>
    %dma_wait3A_214 = arith.constant 0 : i32
    %dma_wait3A_215 = tpu.memref_slice %arg4[%add3A_208, %dma_wait3A_214] : memref<204800x128xf32, #tpu.memory_space<hbm>> -> memref<128x128xf32, #tpu.memory_space<hbm>>
    %dma_wait3A_216 = arith.constant 0 : i32
    %dma_wait3A_217 = tpu.memref_slice %arg4[%add3A_208, %dma_wait3A_216] : memref<204800x128xf32, #tpu.memory_space<hbm>> -> memref<128x128xf32, #tpu.memory_space<hbm>>
    %dma_wait3A_218 = arith.constant 0 : i32
    %dma_wait3A_219 = arith.constant 0 : i32
    %dma_wait3A_220 = tpu.memref_slice %arg6[%dma_wait3A_209, %dma_wait3A_218, %dma_wait3A_219] : memref<7x128x128xf32, #tpu.memory_space<vmem>> -> memref<1x128x128xf32, #tpu.memory_space<vmem>>
    %dma_wait3A_221 = tpu.memref_squeeze %dma_wait3A_220 : memref<1x128x128xf32, #tpu.memory_space<vmem>> -> memref<128x128xf32, #tpu.memory_space<vmem>>
    tpu.wait_dma2 semaphore(%arg15 : memref<!tpu.dma_semaphore, #tpu.memory_space<semaphore_mem>>) src(%dma_wait3A_221 : memref<128x128xf32, #tpu.memory_space<vmem>>) dst(%dma_wait3A_217 : memref<128x128xf32, #tpu.memory_space<hbm>>)
    %multiple_of3A_222 = arith.constant 1024 : i32
    %multiple_of3A_223 = tpu.assume_multiple %multiple_of3A_222, 128 : i32
    %dma_start3A_224 = arith.constant 1 : i32
    %dma_start3A_225 = arith.constant 0 : i32
    %dma_start3A_226 = arith.constant 0 : i32
    %dma_start3A_227 = tpu.memref_slice %arg6[%dma_start3A_224, %dma_start3A_225, %dma_start3A_226] : memref<7x128x128xf32, #tpu.memory_space<vmem>> -> memref<1x128x128xf32, #tpu.memory_space<vmem>>
    %dma_start3A_228 = tpu.memref_squeeze %dma_start3A_227 : memref<1x128x128xf32, #tpu.memory_space<vmem>> -> memref<128x128xf32, #tpu.memory_space<vmem>>
    %dma_start3A_229 = tpu.memref_slice %arg5[%multiple_of3A_223] : memref<6400xi32, #tpu.memory_space<vmem>> -> memref<128xi32, #tpu.memory_space<vmem>>
    %dma_start3A_230 = arith.constant 0 : i32
    %dma_start3A_231 = arith.constant 0 : i32
    %dma_start3A_232 = tpu.memref_slice %arg2[%dma_start3A_230, %dma_start3A_231] : memref<100000x128xf32, #tpu.memory_space<hbm>> -> memref<100000x128xf32, #tpu.memory_space<hbm>>
    tpu.enqueue_indirect_dma source(%dma_start3A_232 : memref<100000x128xf32, #tpu.memory_space<hbm>>) target(%dma_start3A_228 : memref<128x128xf32, #tpu.memory_space<vmem>>) offsets(%dma_start3A_229 : memref<128xi32, #tpu.memory_space<vmem>>) semaphore(%arg8 : memref<!tpu.dma_semaphore, #tpu.memory_space<semaphore_mem>>)
    %multiple_of3A_233 = arith.constant 512 : i32
    %multiple_of3A_234 = tpu.assume_multiple %multiple_of3A_233, 128 : i32
    %dma_wait3A_235 = arith.constant 4 : i32
    %dma_wait3A_236 = arith.constant 0 : i32
    %dma_wait3A_237 = arith.constant 0 : i32
    %dma_wait3A_238 = tpu.memref_slice %arg6[%dma_wait3A_235, %dma_wait3A_236, %dma_wait3A_237] : memref<7x128x128xf32, #tpu.memory_space<vmem>> -> memref<1x128x128xf32, #tpu.memory_space<vmem>>
    %dma_wait3A_239 = tpu.memref_squeeze %dma_wait3A_238 : memref<1x128x128xf32, #tpu.memory_space<vmem>> -> memref<128x128xf32, #tpu.memory_space<vmem>>
    %dma_wait3A_240 = tpu.memref_slice %arg5[%multiple_of3A_234] : memref<6400xi32, #tpu.memory_space<vmem>> -> memref<128xi32, #tpu.memory_space<vmem>>
    %dma_wait3A_241 = arith.constant 0 : i32
    %dma_wait3A_242 = arith.constant 0 : i32
    %dma_wait3A_243 = tpu.memref_slice %arg2[%dma_wait3A_241, %dma_wait3A_242] : memref<100000x128xf32, #tpu.memory_space<hbm>> -> memref<100000x128xf32, #tpu.memory_space<hbm>>
    tpu.wait_indirect_dma semaphore(%arg11 : memref<!tpu.dma_semaphore, #tpu.memory_space<semaphore_mem>>) src(%dma_wait3A_243 : memref<100000x128xf32, #tpu.memory_space<hbm>>) dst(%dma_wait3A_239 : memref<128x128xf32, #tpu.memory_space<vmem>>)
    %add3A_244 = arith.constant 512 : i32
    %add3A_245 = arith.addi %mul3A_2, %add3A_244 : i32
    %dma_start3A_246 = arith.constant 4 : i32
    %dma_start3A_247 = arith.constant 0 : i32
    %dma_start3A_248 = arith.constant 0 : i32
    %dma_start3A_249 = tpu.memref_slice %arg6[%dma_start3A_246, %dma_start3A_247, %dma_start3A_248] : memref<7x128x128xf32, #tpu.memory_space<vmem>> -> memref<1x128x128xf32, #tpu.memory_space<vmem>>
    %dma_start3A_250 = tpu.memref_squeeze %dma_start3A_249 : memref<1x128x128xf32, #tpu.memory_space<vmem>> -> memref<128x128xf32, #tpu.memory_space<vmem>>
    %dma_start3A_251 = arith.constant 0 : i32
    %dma_start3A_252 = tpu.memref_slice %arg4[%add3A_245, %dma_start3A_251] : memref<204800x128xf32, #tpu.memory_space<hbm>> -> memref<128x128xf32, #tpu.memory_space<hbm>>
    %dma_start3A_253 = arith.constant 0 : i32
    %dma_start3A_254 = tpu.memref_slice %arg4[%add3A_245, %dma_start3A_253] : memref<204800x128xf32, #tpu.memory_space<hbm>> -> memref<128x128xf32, #tpu.memory_space<hbm>>
    %dma_start3A_255 = arith.constant 0 : i32
    %dma_start3A_256 = arith.constant 0 : i32
    %dma_start3A_257 = tpu.memref_slice %arg6[%dma_start3A_246, %dma_start3A_255, %dma_start3A_256] : memref<7x128x128xf32, #tpu.memory_space<vmem>> -> memref<1x128x128xf32, #tpu.memory_space<vmem>>
    %dma_start3A_258 = tpu.memref_squeeze %dma_start3A_257 : memref<1x128x128xf32, #tpu.memory_space<vmem>> -> memref<128x128xf32, #tpu.memory_space<vmem>>
    tpu.enqueue_dma source(%dma_start3A_258 : memref<128x128xf32, #tpu.memory_space<vmem>>) target(%dma_start3A_254 : memref<128x128xf32, #tpu.memory_space<hbm>>) target_semaphore(%arg18 : memref<!tpu.dma_semaphore, #tpu.memory_space<semaphore_mem>>)
    %add3A_259 = arith.constant 256 : i32
    %add3A_260 = arith.addi %mul3A_2, %add3A_259 : i32
    %dma_wait3A_261 = arith.constant 2 : i32
    %dma_wait3A_262 = arith.constant 0 : i32
    %dma_wait3A_263 = arith.constant 0 : i32
    %dma_wait3A_264 = tpu.memref_slice %arg6[%dma_wait3A_261, %dma_wait3A_262, %dma_wait3A_263] : memref<7x128x128xf32, #tpu.memory_space<vmem>> -> memref<1x128x128xf32, #tpu.memory_space<vmem>>
    %dma_wait3A_265 = tpu.memref_squeeze %dma_wait3A_264 : memref<1x128x128xf32, #tpu.memory_space<vmem>> -> memref<128x128xf32, #tpu.memory_space<vmem>>
    %dma_wait3A_266 = arith.constant 0 : i32
    %dma_wait3A_267 = tpu.memref_slice %arg4[%add3A_260, %dma_wait3A_266] : memref<204800x128xf32, #tpu.memory_space<hbm>> -> memref<128x128xf32, #tpu.memory_space<hbm>>
    %dma_wait3A_268 = arith.constant 0 : i32
    %dma_wait3A_269 = tpu.memref_slice %arg4[%add3A_260, %dma_wait3A_268] : memref<204800x128xf32, #tpu.memory_space<hbm>> -> memref<128x128xf32, #tpu.memory_space<hbm>>
    %dma_wait3A_270 = arith.constant 0 : i32
    %dma_wait3A_271 = arith.constant 0 : i32
    %dma_wait3A_272 = tpu.memref_slice %arg6[%dma_wait3A_261, %dma_wait3A_270, %dma_wait3A_271] : memref<7x128x128xf32, #tpu.memory_space<vmem>> -> memref<1x128x128xf32, #tpu.memory_space<vmem>>
    %dma_wait3A_273 = tpu.memref_squeeze %dma_wait3A_272 : memref<1x128x128xf32, #tpu.memory_space<vmem>> -> memref<128x128xf32, #tpu.memory_space<vmem>>
    tpu.wait_dma2 semaphore(%arg16 : memref<!tpu.dma_semaphore, #tpu.memory_space<semaphore_mem>>) src(%dma_wait3A_273 : memref<128x128xf32, #tpu.memory_space<vmem>>) dst(%dma_wait3A_269 : memref<128x128xf32, #tpu.memory_space<hbm>>)
    %multiple_of3A_274 = arith.constant 1152 : i32
    %multiple_of3A_275 = tpu.assume_multiple %multiple_of3A_274, 128 : i32
    %dma_start3A_276 = arith.constant 2 : i32
    %dma_start3A_277 = arith.constant 0 : i32
    %dma_start3A_278 = arith.constant 0 : i32
    %dma_start3A_279 = tpu.memref_slice %arg6[%dma_start3A_276, %dma_start3A_277, %dma_start3A_278] : memref<7x128x128xf32, #tpu.memory_space<vmem>> -> memref<1x128x128xf32, #tpu.memory_space<vmem>>
    %dma_start3A_280 = tpu.memref_squeeze %dma_start3A_279 : memref<1x128x128xf32, #tpu.memory_space<vmem>> -> memref<128x128xf32, #tpu.memory_space<vmem>>
    %dma_start3A_281 = tpu.memref_slice %arg5[%multiple_of3A_275] : memref<6400xi32, #tpu.memory_space<vmem>> -> memref<128xi32, #tpu.memory_space<vmem>>
    %dma_start3A_282 = arith.constant 0 : i32
    %dma_start3A_283 = arith.constant 0 : i32
    %dma_start3A_284 = tpu.memref_slice %arg2[%dma_start3A_282, %dma_start3A_283] : memref<100000x128xf32, #tpu.memory_space<hbm>> -> memref<100000x128xf32, #tpu.memory_space<hbm>>
    tpu.enqueue_indirect_dma source(%dma_start3A_284 : memref<100000x128xf32, #tpu.memory_space<hbm>>) target(%dma_start3A_280 : memref<128x128xf32, #tpu.memory_space<vmem>>) offsets(%dma_start3A_281 : memref<128xi32, #tpu.memory_space<vmem>>) semaphore(%arg9 : memref<!tpu.dma_semaphore, #tpu.memory_space<semaphore_mem>>)
    %scan3A = arith.constant 0 : i32
    %scan3A_285 = arith.constant 0 : i32
    %scan3A_286 = arith.constant 5 : i32
    %scan3A_287 = arith.addi %scan3A_285, %scan3A_286 : i32
    %scan3A_288 = arith.constant 1 : i32
    scf.for %scan3A_785 = %scan3A_285 to %scan3A_287 step %scan3A_288  : i32 {
      %mul3A_786 = arith.constant 7 : i32
      %mul3A_787 = arith.muli %scan3A_785, %mul3A_786 : i32
      %add3A_788 = arith.constant 5 : i32
      %add3A_789 = arith.addi %add3A_788, %mul3A_787 : i32
      %add3A_790 = arith.constant 0 : i32
      %add3A_791 = arith.addi %add3A_789, %add3A_790 : i32
      %mul3A_792 = arith.constant 128 : i32
      %mul3A_793 = arith.muli %add3A_791, %mul3A_792 : i32
      %multiple_of3A_794 = tpu.assume_multiple %mul3A_793, 128 : i32
      %dma_wait3A_795 = arith.constant 5 : i32
      %dma_wait3A_796 = arith.constant 0 : i32
      %dma_wait3A_797 = arith.constant 0 : i32
      %dma_wait3A_798 = tpu.memref_slice %arg6[%dma_wait3A_795, %dma_wait3A_796, %dma_wait3A_797] : memref<7x128x128xf32, #tpu.memory_space<vmem>> -> memref<1x128x128xf32, #tpu.memory_space<vmem>>
      %dma_wait3A_799 = tpu.memref_squeeze %dma_wait3A_798 : memref<1x128x128xf32, #tpu.memory_space<vmem>> -> memref<128x128xf32, #tpu.memory_space<vmem>>
      %dma_wait3A_800 = tpu.memref_slice %arg5[%multiple_of3A_794] : memref<6400xi32, #tpu.memory_space<vmem>> -> memref<128xi32, #tpu.memory_space<vmem>>
      %dma_wait3A_801 = arith.constant 0 : i32
      %dma_wait3A_802 = arith.constant 0 : i32
      %dma_wait3A_803 = tpu.memref_slice %arg2[%dma_wait3A_801, %dma_wait3A_802] : memref<100000x128xf32, #tpu.memory_space<hbm>> -> memref<100000x128xf32, #tpu.memory_space<hbm>>
      tpu.wait_indirect_dma semaphore(%arg12 : memref<!tpu.dma_semaphore, #tpu.memory_space<semaphore_mem>>) src(%dma_wait3A_803 : memref<100000x128xf32, #tpu.memory_space<hbm>>) dst(%dma_wait3A_799 : memref<128x128xf32, #tpu.memory_space<vmem>>)
      %mul3A_804 = arith.constant 128 : i32
      %mul3A_805 = arith.muli %add3A_791, %mul3A_804 : i32
      %add3A_806 = arith.addi %mul3A_2, %mul3A_805 : i32
      %dma_start3A_807 = arith.constant 5 : i32
      %dma_start3A_808 = arith.constant 0 : i32
      %dma_start3A_809 = arith.constant 0 : i32
      %dma_start3A_810 = tpu.memref_slice %arg6[%dma_start3A_807, %dma_start3A_808, %dma_start3A_809] : memref<7x128x128xf32, #tpu.memory_space<vmem>> -> memref<1x128x128xf32, #tpu.memory_space<vmem>>
      %dma_start3A_811 = tpu.memref_squeeze %dma_start3A_810 : memref<1x128x128xf32, #tpu.memory_space<vmem>> -> memref<128x128xf32, #tpu.memory_space<vmem>>
      %dma_start3A_812 = arith.constant 0 : i32
      %dma_start3A_813 = tpu.memref_slice %arg4[%add3A_806, %dma_start3A_812] : memref<204800x128xf32, #tpu.memory_space<hbm>> -> memref<128x128xf32, #tpu.memory_space<hbm>>
      %dma_start3A_814 = arith.constant 0 : i32
      %dma_start3A_815 = tpu.memref_slice %arg4[%add3A_806, %dma_start3A_814] : memref<204800x128xf32, #tpu.memory_space<hbm>> -> memref<128x128xf32, #tpu.memory_space<hbm>>
      %dma_start3A_816 = arith.constant 0 : i32
      %dma_start3A_817 = arith.constant 0 : i32
      %dma_start3A_818 = tpu.memref_slice %arg6[%dma_start3A_807, %dma_start3A_816, %dma_start3A_817] : memref<7x128x128xf32, #tpu.memory_space<vmem>> -> memref<1x128x128xf32, #tpu.memory_space<vmem>>
      %dma_start3A_819 = tpu.memref_squeeze %dma_start3A_818 : memref<1x128x128xf32, #tpu.memory_space<vmem>> -> memref<128x128xf32, #tpu.memory_space<vmem>>
      tpu.enqueue_dma source(%dma_start3A_819 : memref<128x128xf32, #tpu.memory_space<vmem>>) target(%dma_start3A_815 : memref<128x128xf32, #tpu.memory_space<hbm>>) target_semaphore(%arg19 : memref<!tpu.dma_semaphore, #tpu.memory_space<semaphore_mem>>)
      %add3A_820 = arith.constant 0 : i32
      %add3A_821 = arith.addi %add3A_789, %add3A_820 : i32
      %sub3A = arith.constant 2 : i32
      %sub3A_822 = arith.subi %add3A_821, %sub3A : i32
      %mul3A_823 = arith.constant 128 : i32
      %mul3A_824 = arith.muli %sub3A_822, %mul3A_823 : i32
      %add3A_825 = arith.addi %mul3A_2, %mul3A_824 : i32
      %dma_wait3A_826 = arith.constant 3 : i32
      %dma_wait3A_827 = arith.constant 0 : i32
      %dma_wait3A_828 = arith.constant 0 : i32
      %dma_wait3A_829 = tpu.memref_slice %arg6[%dma_wait3A_826, %dma_wait3A_827, %dma_wait3A_828] : memref<7x128x128xf32, #tpu.memory_space<vmem>> -> memref<1x128x128xf32, #tpu.memory_space<vmem>>
      %dma_wait3A_830 = tpu.memref_squeeze %dma_wait3A_829 : memref<1x128x128xf32, #tpu.memory_space<vmem>> -> memref<128x128xf32, #tpu.memory_space<vmem>>
      %dma_wait3A_831 = arith.constant 0 : i32
      %dma_wait3A_832 = tpu.memref_slice %arg4[%add3A_825, %dma_wait3A_831] : memref<204800x128xf32, #tpu.memory_space<hbm>> -> memref<128x128xf32, #tpu.memory_space<hbm>>
      %dma_wait3A_833 = arith.constant 0 : i32
      %dma_wait3A_834 = tpu.memref_slice %arg4[%add3A_825, %dma_wait3A_833] : memref<204800x128xf32, #tpu.memory_space<hbm>> -> memref<128x128xf32, #tpu.memory_space<hbm>>
      %dma_wait3A_835 = arith.constant 0 : i32
      %dma_wait3A_836 = arith.constant 0 : i32
      %dma_wait3A_837 = tpu.memref_slice %arg6[%dma_wait3A_826, %dma_wait3A_835, %dma_wait3A_836] : memref<7x128x128xf32, #tpu.memory_space<vmem>> -> memref<1x128x128xf32, #tpu.memory_space<vmem>>
      %dma_wait3A_838 = tpu.memref_squeeze %dma_wait3A_837 : memref<1x128x128xf32, #tpu.memory_space<vmem>> -> memref<128x128xf32, #tpu.memory_space<vmem>>
      tpu.wait_dma2 semaphore(%arg17 : memref<!tpu.dma_semaphore, #tpu.memory_space<semaphore_mem>>) src(%dma_wait3A_838 : memref<128x128xf32, #tpu.memory_space<vmem>>) dst(%dma_wait3A_834 : memref<128x128xf32, #tpu.memory_space<hbm>>)
      %add3A_839 = arith.constant 5 : i32
      %add3A_840 = arith.addi %add3A_821, %add3A_839 : i32
      %mul3A_841 = arith.constant 128 : i32
      %mul3A_842 = arith.muli %add3A_840, %mul3A_841 : i32
      %multiple_of3A_843 = tpu.assume_multiple %mul3A_842, 128 : i32
      %dma_start3A_844 = arith.constant 3 : i32
      %dma_start3A_845 = arith.constant 0 : i32
      %dma_start3A_846 = arith.constant 0 : i32
      %dma_start3A_847 = tpu.memref_slice %arg6[%dma_start3A_844, %dma_start3A_845, %dma_start3A_846] : memref<7x128x128xf32, #tpu.memory_space<vmem>> -> memref<1x128x128xf32, #tpu.memory_space<vmem>>
      %dma_start3A_848 = tpu.memref_squeeze %dma_start3A_847 : memref<1x128x128xf32, #tpu.memory_space<vmem>> -> memref<128x128xf32, #tpu.memory_space<vmem>>
      %dma_start3A_849 = tpu.memref_slice %arg5[%multiple_of3A_843] : memref<6400xi32, #tpu.memory_space<vmem>> -> memref<128xi32, #tpu.memory_space<vmem>>
      %dma_start3A_850 = arith.constant 0 : i32
      %dma_start3A_851 = arith.constant 0 : i32
      %dma_start3A_852 = tpu.memref_slice %arg2[%dma_start3A_850, %dma_start3A_851] : memref<100000x128xf32, #tpu.memory_space<hbm>> -> memref<100000x128xf32, #tpu.memory_space<hbm>>
      tpu.enqueue_indirect_dma source(%dma_start3A_852 : memref<100000x128xf32, #tpu.memory_space<hbm>>) target(%dma_start3A_848 : memref<128x128xf32, #tpu.memory_space<vmem>>) offsets(%dma_start3A_849 : memref<128xi32, #tpu.memory_space<vmem>>) semaphore(%arg10 : memref<!tpu.dma_semaphore, #tpu.memory_space<semaphore_mem>>)
      %add3A_853 = arith.constant 1 : i32
      %add3A_854 = arith.addi %add3A_789, %add3A_853 : i32
      %mul3A_855 = arith.constant 128 : i32
      %mul3A_856 = arith.muli %add3A_854, %mul3A_855 : i32
      %multiple_of3A_857 = tpu.assume_multiple %mul3A_856, 128 : i32
      %dma_wait3A_858 = arith.constant 6 : i32
      %dma_wait3A_859 = arith.constant 0 : i32
      %dma_wait3A_860 = arith.constant 0 : i32
      %dma_wait3A_861 = tpu.memref_slice %arg6[%dma_wait3A_858, %dma_wait3A_859, %dma_wait3A_860] : memref<7x128x128xf32, #tpu.memory_space<vmem>> -> memref<1x128x128xf32, #tpu.memory_space<vmem>>
      %dma_wait3A_862 = tpu.memref_squeeze %dma_wait3A_861 : memref<1x128x128xf32, #tpu.memory_space<vmem>> -> memref<128x128xf32, #tpu.memory_space<vmem>>
      %dma_wait3A_863 = tpu.memref_slice %arg5[%multiple_of3A_857] : memref<6400xi32, #tpu.memory_space<vmem>> -> memref<128xi32, #tpu.memory_space<vmem>>
      %dma_wait3A_864 = arith.constant 0 : i32
      %dma_wait3A_865 = arith.constant 0 : i32
      %dma_wait3A_866 = tpu.memref_slice %arg2[%dma_wait3A_864, %dma_wait3A_865] : memref<100000x128xf32, #tpu.memory_space<hbm>> -> memref<100000x128xf32, #tpu.memory_space<hbm>>
      tpu.wait_indirect_dma semaphore(%arg13 : memref<!tpu.dma_semaphore, #tpu.memory_space<semaphore_mem>>) src(%dma_wait3A_866 : memref<100000x128xf32, #tpu.memory_space<hbm>>) dst(%dma_wait3A_862 : memref<128x128xf32, #tpu.memory_space<vmem>>)
      %mul3A_867 = arith.constant 128 : i32
      %mul3A_868 = arith.muli %add3A_854, %mul3A_867 : i32
      %add3A_869 = arith.addi %mul3A_2, %mul3A_868 : i32
      %dma_start3A_870 = arith.constant 6 : i32
      %dma_start3A_871 = arith.constant 0 : i32
      %dma_start3A_872 = arith.constant 0 : i32
      %dma_start3A_873 = tpu.memref_slice %arg6[%dma_start3A_870, %dma_start3A_871, %dma_start3A_872] : memref<7x128x128xf32, #tpu.memory_space<vmem>> -> memref<1x128x128xf32, #tpu.memory_space<vmem>>
      %dma_start3A_874 = tpu.memref_squeeze %dma_start3A_873 : memref<1x128x128xf32, #tpu.memory_space<vmem>> -> memref<128x128xf32, #tpu.memory_space<vmem>>
      %dma_start3A_875 = arith.constant 0 : i32
      %dma_start3A_876 = tpu.memref_slice %arg4[%add3A_869, %dma_start3A_875] : memref<204800x128xf32, #tpu.memory_space<hbm>> -> memref<128x128xf32, #tpu.memory_space<hbm>>
      %dma_start3A_877 = arith.constant 0 : i32
      %dma_start3A_878 = tpu.memref_slice %arg4[%add3A_869, %dma_start3A_877] : memref<204800x128xf32, #tpu.memory_space<hbm>> -> memref<128x128xf32, #tpu.memory_space<hbm>>
      %dma_start3A_879 = arith.constant 0 : i32
      %dma_start3A_880 = arith.constant 0 : i32
      %dma_start3A_881 = tpu.memref_slice %arg6[%dma_start3A_870, %dma_start3A_879, %dma_start3A_880] : memref<7x128x128xf32, #tpu.memory_space<vmem>> -> memref<1x128x128xf32, #tpu.memory_space<vmem>>
      %dma_start3A_882 = tpu.memref_squeeze %dma_start3A_881 : memref<1x128x128xf32, #tpu.memory_space<vmem>> -> memref<128x128xf32, #tpu.memory_space<vmem>>
      tpu.enqueue_dma source(%dma_start3A_882 : memref<128x128xf32, #tpu.memory_space<vmem>>) target(%dma_start3A_878 : memref<128x128xf32, #tpu.memory_space<hbm>>) target_semaphore(%arg20 : memref<!tpu.dma_semaphore, #tpu.memory_space<semaphore_mem>>)
      %add3A_883 = arith.constant 1 : i32
      %add3A_884 = arith.addi %add3A_789, %add3A_883 : i32
      %sub3A_885 = arith.constant 2 : i32
      %sub3A_886 = arith.subi %add3A_884, %sub3A_885 : i32
      %mul3A_887 = arith.constant 128 : i32
      %mul3A_888 = arith.muli %sub3A_886, %mul3A_887 : i32
      %add3A_889 = arith.addi %mul3A_2, %mul3A_888 : i32
      %dma_wait3A_890 = arith.constant 4 : i32
      %dma_wait3A_891 = arith.constant 0 : i32
      %dma_wait3A_892 = arith.constant 0 : i32
      %dma_wait3A_893 = tpu.memref_slice %arg6[%dma_wait3A_890, %dma_wait3A_891, %dma_wait3A_892] : memref<7x128x128xf32, #tpu.memory_space<vmem>> -> memref<1x128x128xf32, #tpu.memory_space<vmem>>
      %dma_wait3A_894 = tpu.memref_squeeze %dma_wait3A_893 : memref<1x128x128xf32, #tpu.memory_space<vmem>> -> memref<128x128xf32, #tpu.memory_space<vmem>>
      %dma_wait3A_895 = arith.constant 0 : i32
      %dma_wait3A_896 = tpu.memref_slice %arg4[%add3A_889, %dma_wait3A_895] : memref<204800x128xf32, #tpu.memory_space<hbm>> -> memref<128x128xf32, #tpu.memory_space<hbm>>
      %dma_wait3A_897 = arith.constant 0 : i32
      %dma_wait3A_898 = tpu.memref_slice %arg4[%add3A_889, %dma_wait3A_897] : memref<204800x128xf32, #tpu.memory_space<hbm>> -> memref<128x128xf32, #tpu.memory_space<hbm>>
      %dma_wait3A_899 = arith.constant 0 : i32
      %dma_wait3A_900 = arith.constant 0 : i32
      %dma_wait3A_901 = tpu.memref_slice %arg6[%dma_wait3A_890, %dma_wait3A_899, %dma_wait3A_900] : memref<7x128x128xf32, #tpu.memory_space<vmem>> -> memref<1x128x128xf32, #tpu.memory_space<vmem>>
      %dma_wait3A_902 = tpu.memref_squeeze %dma_wait3A_901 : memref<1x128x128xf32, #tpu.memory_space<vmem>> -> memref<128x128xf32, #tpu.memory_space<vmem>>
      tpu.wait_dma2 semaphore(%arg18 : memref<!tpu.dma_semaphore, #tpu.memory_space<semaphore_mem>>) src(%dma_wait3A_902 : memref<128x128xf32, #tpu.memory_space<vmem>>) dst(%dma_wait3A_898 : memref<128x128xf32, #tpu.memory_space<hbm>>)
      %add3A_903 = arith.constant 5 : i32
      %add3A_904 = arith.addi %add3A_884, %add3A_903 : i32
      %mul3A_905 = arith.constant 128 : i32
      %mul3A_906 = arith.muli %add3A_904, %mul3A_905 : i32
      %multiple_of3A_907 = tpu.assume_multiple %mul3A_906, 128 : i32
      %dma_start3A_908 = arith.constant 4 : i32
      %dma_start3A_909 = arith.constant 0 : i32
      %dma_start3A_910 = arith.constant 0 : i32
      %dma_start3A_911 = tpu.memref_slice %arg6[%dma_start3A_908, %dma_start3A_909, %dma_start3A_910] : memref<7x128x128xf32, #tpu.memory_space<vmem>> -> memref<1x128x128xf32, #tpu.memory_space<vmem>>
      %dma_start3A_912 = tpu.memref_squeeze %dma_start3A_911 : memref<1x128x128xf32, #tpu.memory_space<vmem>> -> memref<128x128xf32, #tpu.memory_space<vmem>>
      %dma_start3A_913 = tpu.memref_slice %arg5[%multiple_of3A_907] : memref<6400xi32, #tpu.memory_space<vmem>> -> memref<128xi32, #tpu.memory_space<vmem>>
      %dma_start3A_914 = arith.constant 0 : i32
      %dma_start3A_915 = arith.constant 0 : i32
      %dma_start3A_916 = tpu.memref_slice %arg2[%dma_start3A_914, %dma_start3A_915] : memref<100000x128xf32, #tpu.memory_space<hbm>> -> memref<100000x128xf32, #tpu.memory_space<hbm>>
      tpu.enqueue_indirect_dma source(%dma_start3A_916 : memref<100000x128xf32, #tpu.memory_space<hbm>>) target(%dma_start3A_912 : memref<128x128xf32, #tpu.memory_space<vmem>>) offsets(%dma_start3A_913 : memref<128xi32, #tpu.memory_space<vmem>>) semaphore(%arg11 : memref<!tpu.dma_semaphore, #tpu.memory_space<semaphore_mem>>)
      %add3A_917 = arith.constant 2 : i32
      %add3A_918 = arith.addi %add3A_789, %add3A_917 : i32
      %mul3A_919 = arith.constant 128 : i32
      %mul3A_920 = arith.muli %add3A_918, %mul3A_919 : i32
      %multiple_of3A_921 = tpu.assume_multiple %mul3A_920, 128 : i32
      %dma_wait3A_922 = arith.constant 0 : i32
      %dma_wait3A_923 = arith.constant 0 : i32
      %dma_wait3A_924 = arith.constant 0 : i32
      %dma_wait3A_925 = tpu.memref_slice %arg6[%dma_wait3A_922, %dma_wait3A_923, %dma_wait3A_924] : memref<7x128x128xf32, #tpu.memory_space<vmem>> -> memref<1x128x128xf32, #tpu.memory_space<vmem>>
      %dma_wait3A_926 = tpu.memref_squeeze %dma_wait3A_925 : memref<1x128x128xf32, #tpu.memory_space<vmem>> -> memref<128x128xf32, #tpu.memory_space<vmem>>
      %dma_wait3A_927 = tpu.memref_slice %arg5[%multiple_of3A_921] : memref<6400xi32, #tpu.memory_space<vmem>> -> memref<128xi32, #tpu.memory_space<vmem>>
      %dma_wait3A_928 = arith.constant 0 : i32
      %dma_wait3A_929 = arith.constant 0 : i32
      %dma_wait3A_930 = tpu.memref_slice %arg2[%dma_wait3A_928, %dma_wait3A_929] : memref<100000x128xf32, #tpu.memory_space<hbm>> -> memref<100000x128xf32, #tpu.memory_space<hbm>>
      tpu.wait_indirect_dma semaphore(%arg7 : memref<!tpu.dma_semaphore, #tpu.memory_space<semaphore_mem>>) src(%dma_wait3A_930 : memref<100000x128xf32, #tpu.memory_space<hbm>>) dst(%dma_wait3A_926 : memref<128x128xf32, #tpu.memory_space<vmem>>)
      %mul3A_931 = arith.constant 128 : i32
      %mul3A_932 = arith.muli %add3A_918, %mul3A_931 : i32
      %add3A_933 = arith.addi %mul3A_2, %mul3A_932 : i32
      %dma_start3A_934 = arith.constant 0 : i32
      %dma_start3A_935 = arith.constant 0 : i32
      %dma_start3A_936 = arith.constant 0 : i32
      %dma_start3A_937 = tpu.memref_slice %arg6[%dma_start3A_934, %dma_start3A_935, %dma_start3A_936] : memref<7x128x128xf32, #tpu.memory_space<vmem>> -> memref<1x128x128xf32, #tpu.memory_space<vmem>>
      %dma_start3A_938 = tpu.memref_squeeze %dma_start3A_937 : memref<1x128x128xf32, #tpu.memory_space<vmem>> -> memref<128x128xf32, #tpu.memory_space<vmem>>
      %dma_start3A_939 = arith.constant 0 : i32
      %dma_start3A_940 = tpu.memref_slice %arg4[%add3A_933, %dma_start3A_939] : memref<204800x128xf32, #tpu.memory_space<hbm>> -> memref<128x128xf32, #tpu.memory_space<hbm>>
      %dma_start3A_941 = arith.constant 0 : i32
      %dma_start3A_942 = tpu.memref_slice %arg4[%add3A_933, %dma_start3A_941] : memref<204800x128xf32, #tpu.memory_space<hbm>> -> memref<128x128xf32, #tpu.memory_space<hbm>>
      %dma_start3A_943 = arith.constant 0 : i32
      %dma_start3A_944 = arith.constant 0 : i32
      %dma_start3A_945 = tpu.memref_slice %arg6[%dma_start3A_934, %dma_start3A_943, %dma_start3A_944] : memref<7x128x128xf32, #tpu.memory_space<vmem>> -> memref<1x128x128xf32, #tpu.memory_space<vmem>>
      %dma_start3A_946 = tpu.memref_squeeze %dma_start3A_945 : memref<1x128x128xf32, #tpu.memory_space<vmem>> -> memref<128x128xf32, #tpu.memory_space<vmem>>
      tpu.enqueue_dma source(%dma_start3A_946 : memref<128x128xf32, #tpu.memory_space<vmem>>) target(%dma_start3A_942 : memref<128x128xf32, #tpu.memory_space<hbm>>) target_semaphore(%arg14 : memref<!tpu.dma_semaphore, #tpu.memory_space<semaphore_mem>>)
      %add3A_947 = arith.constant 2 : i32
      %add3A_948 = arith.addi %add3A_789, %add3A_947 : i32
      %sub3A_949 = arith.constant 2 : i32
      %sub3A_950 = arith.subi %add3A_948, %sub3A_949 : i32
      %mul3A_951 = arith.constant 128 : i32
      %mul3A_952 = arith.muli %sub3A_950, %mul3A_951 : i32
      %add3A_953 = arith.addi %mul3A_2, %mul3A_952 : i32
      %dma_wait3A_954 = arith.constant 5 : i32
      %dma_wait3A_955 = arith.constant 0 : i32
      %dma_wait3A_956 = arith.constant 0 : i32
      %dma_wait3A_957 = tpu.memref_slice %arg6[%dma_wait3A_954, %dma_wait3A_955, %dma_wait3A_956] : memref<7x128x128xf32, #tpu.memory_space<vmem>> -> memref<1x128x128xf32, #tpu.memory_space<vmem>>
      %dma_wait3A_958 = tpu.memref_squeeze %dma_wait3A_957 : memref<1x128x128xf32, #tpu.memory_space<vmem>> -> memref<128x128xf32, #tpu.memory_space<vmem>>
      %dma_wait3A_959 = arith.constant 0 : i32
      %dma_wait3A_960 = tpu.memref_slice %arg4[%add3A_953, %dma_wait3A_959] : memref<204800x128xf32, #tpu.memory_space<hbm>> -> memref<128x128xf32, #tpu.memory_space<hbm>>
      %dma_wait3A_961 = arith.constant 0 : i32
      %dma_wait3A_962 = tpu.memref_slice %arg4[%add3A_953, %dma_wait3A_961] : memref<204800x128xf32, #tpu.memory_space<hbm>> -> memref<128x128xf32, #tpu.memory_space<hbm>>
      %dma_wait3A_963 = arith.constant 0 : i32
      %dma_wait3A_964 = arith.constant 0 : i32
      %dma_wait3A_965 = tpu.memref_slice %arg6[%dma_wait3A_954, %dma_wait3A_963, %dma_wait3A_964] : memref<7x128x128xf32, #tpu.memory_space<vmem>> -> memref<1x128x128xf32, #tpu.memory_space<vmem>>
      %dma_wait3A_966 = tpu.memref_squeeze %dma_wait3A_965 : memref<1x128x128xf32, #tpu.memory_space<vmem>> -> memref<128x128xf32, #tpu.memory_space<vmem>>
      tpu.wait_dma2 semaphore(%arg19 : memref<!tpu.dma_semaphore, #tpu.memory_space<semaphore_mem>>) src(%dma_wait3A_966 : memref<128x128xf32, #tpu.memory_space<vmem>>) dst(%dma_wait3A_962 : memref<128x128xf32, #tpu.memory_space<hbm>>)
      %add3A_967 = arith.constant 5 : i32
      %add3A_968 = arith.addi %add3A_948, %add3A_967 : i32
      %mul3A_969 = arith.constant 128 : i32
      %mul3A_970 = arith.muli %add3A_968, %mul3A_969 : i32
      %multiple_of3A_971 = tpu.assume_multiple %mul3A_970, 128 : i32
      %dma_start3A_972 = arith.constant 5 : i32
      %dma_start3A_973 = arith.constant 0 : i32
      %dma_start3A_974 = arith.constant 0 : i32
      %dma_start3A_975 = tpu.memref_slice %arg6[%dma_start3A_972, %dma_start3A_973, %dma_start3A_974] : memref<7x128x128xf32, #tpu.memory_space<vmem>> -> memref<1x128x128xf32, #tpu.memory_space<vmem>>
      %dma_start3A_976 = tpu.memref_squeeze %dma_start3A_975 : memref<1x128x128xf32, #tpu.memory_space<vmem>> -> memref<128x128xf32, #tpu.memory_space<vmem>>
      %dma_start3A_977 = tpu.memref_slice %arg5[%multiple_of3A_971] : memref<6400xi32, #tpu.memory_space<vmem>> -> memref<128xi32, #tpu.memory_space<vmem>>
      %dma_start3A_978 = arith.constant 0 : i32
      %dma_start3A_979 = arith.constant 0 : i32
      %dma_start3A_980 = tpu.memref_slice %arg2[%dma_start3A_978, %dma_start3A_979] : memref<100000x128xf32, #tpu.memory_space<hbm>> -> memref<100000x128xf32, #tpu.memory_space<hbm>>
      tpu.enqueue_indirect_dma source(%dma_start3A_980 : memref<100000x128xf32, #tpu.memory_space<hbm>>) target(%dma_start3A_976 : memref<128x128xf32, #tpu.memory_space<vmem>>) offsets(%dma_start3A_977 : memref<128xi32, #tpu.memory_space<vmem>>) semaphore(%arg12 : memref<!tpu.dma_semaphore, #tpu.memory_space<semaphore_mem>>)
      %add3A_981 = arith.constant 3 : i32
      %add3A_982 = arith.addi %add3A_789, %add3A_981 : i32
      %mul3A_983 = arith.constant 128 : i32
      %mul3A_984 = arith.muli %add3A_982, %mul3A_983 : i32
      %multiple_of3A_985 = tpu.assume_multiple %mul3A_984, 128 : i32
      %dma_wait3A_986 = arith.constant 1 : i32
      %dma_wait3A_987 = arith.constant 0 : i32
      %dma_wait3A_988 = arith.constant 0 : i32
      %dma_wait3A_989 = tpu.memref_slice %arg6[%dma_wait3A_986, %dma_wait3A_987, %dma_wait3A_988] : memref<7x128x128xf32, #tpu.memory_space<vmem>> -> memref<1x128x128xf32, #tpu.memory_space<vmem>>
      %dma_wait3A_990 = tpu.memref_squeeze %dma_wait3A_989 : memref<1x128x128xf32, #tpu.memory_space<vmem>> -> memref<128x128xf32, #tpu.memory_space<vmem>>
      %dma_wait3A_991 = tpu.memref_slice %arg5[%multiple_of3A_985] : memref<6400xi32, #tpu.memory_space<vmem>> -> memref<128xi32, #tpu.memory_space<vmem>>
      %dma_wait3A_992 = arith.constant 0 : i32
      %dma_wait3A_993 = arith.constant 0 : i32
      %dma_wait3A_994 = tpu.memref_slice %arg2[%dma_wait3A_992, %dma_wait3A_993] : memref<100000x128xf32, #tpu.memory_space<hbm>> -> memref<100000x128xf32, #tpu.memory_space<hbm>>
      tpu.wait_indirect_dma semaphore(%arg8 : memref<!tpu.dma_semaphore, #tpu.memory_space<semaphore_mem>>) src(%dma_wait3A_994 : memref<100000x128xf32, #tpu.memory_space<hbm>>) dst(%dma_wait3A_990 : memref<128x128xf32, #tpu.memory_space<vmem>>)
      %mul3A_995 = arith.constant 128 : i32
      %mul3A_996 = arith.muli %add3A_982, %mul3A_995 : i32
      %add3A_997 = arith.addi %mul3A_2, %mul3A_996 : i32
      %dma_start3A_998 = arith.constant 1 : i32
      %dma_start3A_999 = arith.constant 0 : i32
      %dma_start3A_1000 = arith.constant 0 : i32
      %dma_start3A_1001 = tpu.memref_slice %arg6[%dma_start3A_998, %dma_start3A_999, %dma_start3A_1000] : memref<7x128x128xf32, #tpu.memory_space<vmem>> -> memref<1x128x128xf32, #tpu.memory_space<vmem>>
      %dma_start3A_1002 = tpu.memref_squeeze %dma_start3A_1001 : memref<1x128x128xf32, #tpu.memory_space<vmem>> -> memref<128x128xf32, #tpu.memory_space<vmem>>
      %dma_start3A_1003 = arith.constant 0 : i32
      %dma_start3A_1004 = tpu.memref_slice %arg4[%add3A_997, %dma_start3A_1003] : memref<204800x128xf32, #tpu.memory_space<hbm>> -> memref<128x128xf32, #tpu.memory_space<hbm>>
      %dma_start3A_1005 = arith.constant 0 : i32
      %dma_start3A_1006 = tpu.memref_slice %arg4[%add3A_997, %dma_start3A_1005] : memref<204800x128xf32, #tpu.memory_space<hbm>> -> memref<128x128xf32, #tpu.memory_space<hbm>>
      %dma_start3A_1007 = arith.constant 0 : i32
      %dma_start3A_1008 = arith.constant 0 : i32
      %dma_start3A_1009 = tpu.memref_slice %arg6[%dma_start3A_998, %dma_start3A_1007, %dma_start3A_1008] : memref<7x128x128xf32, #tpu.memory_space<vmem>> -> memref<1x128x128xf32, #tpu.memory_space<vmem>>
      %dma_start3A_1010 = tpu.memref_squeeze %dma_start3A_1009 : memref<1x128x128xf32, #tpu.memory_space<vmem>> -> memref<128x128xf32, #tpu.memory_space<vmem>>
      tpu.enqueue_dma source(%dma_start3A_1010 : memref<128x128xf32, #tpu.memory_space<vmem>>) target(%dma_start3A_1006 : memref<128x128xf32, #tpu.memory_space<hbm>>) target_semaphore(%arg15 : memref<!tpu.dma_semaphore, #tpu.memory_space<semaphore_mem>>)
      %add3A_1011 = arith.constant 3 : i32
      %add3A_1012 = arith.addi %add3A_789, %add3A_1011 : i32
      %sub3A_1013 = arith.constant 2 : i32
      %sub3A_1014 = arith.subi %add3A_1012, %sub3A_1013 : i32
      %mul3A_1015 = arith.constant 128 : i32
      %mul3A_1016 = arith.muli %sub3A_1014, %mul3A_1015 : i32
      %add3A_1017 = arith.addi %mul3A_2, %mul3A_1016 : i32
      %dma_wait3A_1018 = arith.constant 6 : i32
      %dma_wait3A_1019 = arith.constant 0 : i32
      %dma_wait3A_1020 = arith.constant 0 : i32
      %dma_wait3A_1021 = tpu.memref_slice %arg6[%dma_wait3A_1018, %dma_wait3A_1019, %dma_wait3A_1020] : memref<7x128x128xf32, #tpu.memory_space<vmem>> -> memref<1x128x128xf32, #tpu.memory_space<vmem>>
      %dma_wait3A_1022 = tpu.memref_squeeze %dma_wait3A_1021 : memref<1x128x128xf32, #tpu.memory_space<vmem>> -> memref<128x128xf32, #tpu.memory_space<vmem>>
      %dma_wait3A_1023 = arith.constant 0 : i32
      %dma_wait3A_1024 = tpu.memref_slice %arg4[%add3A_1017, %dma_wait3A_1023] : memref<204800x128xf32, #tpu.memory_space<hbm>> -> memref<128x128xf32, #tpu.memory_space<hbm>>
      %dma_wait3A_1025 = arith.constant 0 : i32
      %dma_wait3A_1026 = tpu.memref_slice %arg4[%add3A_1017, %dma_wait3A_1025] : memref<204800x128xf32, #tpu.memory_space<hbm>> -> memref<128x128xf32, #tpu.memory_space<hbm>>
      %dma_wait3A_1027 = arith.constant 0 : i32
      %dma_wait3A_1028 = arith.constant 0 : i32
      %dma_wait3A_1029 = tpu.memref_slice %arg6[%dma_wait3A_1018, %dma_wait3A_1027, %dma_wait3A_1028] : memref<7x128x128xf32, #tpu.memory_space<vmem>> -> memref<1x128x128xf32, #tpu.memory_space<vmem>>
      %dma_wait3A_1030 = tpu.memref_squeeze %dma_wait3A_1029 : memref<1x128x128xf32, #tpu.memory_space<vmem>> -> memref<128x128xf32, #tpu.memory_space<vmem>>
      tpu.wait_dma2 semaphore(%arg20 : memref<!tpu.dma_semaphore, #tpu.memory_space<semaphore_mem>>) src(%dma_wait3A_1030 : memref<128x128xf32, #tpu.memory_space<vmem>>) dst(%dma_wait3A_1026 : memref<128x128xf32, #tpu.memory_space<hbm>>)
      %add3A_1031 = arith.constant 5 : i32
      %add3A_1032 = arith.addi %add3A_1012, %add3A_1031 : i32
      %mul3A_1033 = arith.constant 128 : i32
      %mul3A_1034 = arith.muli %add3A_1032, %mul3A_1033 : i32
      %multiple_of3A_1035 = tpu.assume_multiple %mul3A_1034, 128 : i32
      %dma_start3A_1036 = arith.constant 6 : i32
      %dma_start3A_1037 = arith.constant 0 : i32
      %dma_start3A_1038 = arith.constant 0 : i32
      %dma_start3A_1039 = tpu.memref_slice %arg6[%dma_start3A_1036, %dma_start3A_1037, %dma_start3A_1038] : memref<7x128x128xf32, #tpu.memory_space<vmem>> -> memref<1x128x128xf32, #tpu.memory_space<vmem>>
      %dma_start3A_1040 = tpu.memref_squeeze %dma_start3A_1039 : memref<1x128x128xf32, #tpu.memory_space<vmem>> -> memref<128x128xf32, #tpu.memory_space<vmem>>
      %dma_start3A_1041 = tpu.memref_slice %arg5[%multiple_of3A_1035] : memref<6400xi32, #tpu.memory_space<vmem>> -> memref<128xi32, #tpu.memory_space<vmem>>
      %dma_start3A_1042 = arith.constant 0 : i32
      %dma_start3A_1043 = arith.constant 0 : i32
      %dma_start3A_1044 = tpu.memref_slice %arg2[%dma_start3A_1042, %dma_start3A_1043] : memref<100000x128xf32, #tpu.memory_space<hbm>> -> memref<100000x128xf32, #tpu.memory_space<hbm>>
      tpu.enqueue_indirect_dma source(%dma_start3A_1044 : memref<100000x128xf32, #tpu.memory_space<hbm>>) target(%dma_start3A_1040 : memref<128x128xf32, #tpu.memory_space<vmem>>) offsets(%dma_start3A_1041 : memref<128xi32, #tpu.memory_space<vmem>>) semaphore(%arg13 : memref<!tpu.dma_semaphore, #tpu.memory_space<semaphore_mem>>)
      %add3A_1045 = arith.constant 4 : i32
      %add3A_1046 = arith.addi %add3A_789, %add3A_1045 : i32
      %mul3A_1047 = arith.constant 128 : i32
      %mul3A_1048 = arith.muli %add3A_1046, %mul3A_1047 : i32
      %multiple_of3A_1049 = tpu.assume_multiple %mul3A_1048, 128 : i32
      %dma_wait3A_1050 = arith.constant 2 : i32
      %dma_wait3A_1051 = arith.constant 0 : i32
      %dma_wait3A_1052 = arith.constant 0 : i32
      %dma_wait3A_1053 = tpu.memref_slice %arg6[%dma_wait3A_1050, %dma_wait3A_1051, %dma_wait3A_1052] : memref<7x128x128xf32, #tpu.memory_space<vmem>> -> memref<1x128x128xf32, #tpu.memory_space<vmem>>
      %dma_wait3A_1054 = tpu.memref_squeeze %dma_wait3A_1053 : memref<1x128x128xf32, #tpu.memory_space<vmem>> -> memref<128x128xf32, #tpu.memory_space<vmem>>
      %dma_wait3A_1055 = tpu.memref_slice %arg5[%multiple_of3A_1049] : memref<6400xi32, #tpu.memory_space<vmem>> -> memref<128xi32, #tpu.memory_space<vmem>>
      %dma_wait3A_1056 = arith.constant 0 : i32
      %dma_wait3A_1057 = arith.constant 0 : i32
      %dma_wait3A_1058 = tpu.memref_slice %arg2[%dma_wait3A_1056, %dma_wait3A_1057] : memref<100000x128xf32, #tpu.memory_space<hbm>> -> memref<100000x128xf32, #tpu.memory_space<hbm>>
      tpu.wait_indirect_dma semaphore(%arg9 : memref<!tpu.dma_semaphore, #tpu.memory_space<semaphore_mem>>) src(%dma_wait3A_1058 : memref<100000x128xf32, #tpu.memory_space<hbm>>) dst(%dma_wait3A_1054 : memref<128x128xf32, #tpu.memory_space<vmem>>)
      %mul3A_1059 = arith.constant 128 : i32
      %mul3A_1060 = arith.muli %add3A_1046, %mul3A_1059 : i32
      %add3A_1061 = arith.addi %mul3A_2, %mul3A_1060 : i32
      %dma_start3A_1062 = arith.constant 2 : i32
      %dma_start3A_1063 = arith.constant 0 : i32
      %dma_start3A_1064 = arith.constant 0 : i32
      %dma_start3A_1065 = tpu.memref_slice %arg6[%dma_start3A_1062, %dma_start3A_1063, %dma_start3A_1064] : memref<7x128x128xf32, #tpu.memory_space<vmem>> -> memref<1x128x128xf32, #tpu.memory_space<vmem>>
      %dma_start3A_1066 = tpu.memref_squeeze %dma_start3A_1065 : memref<1x128x128xf32, #tpu.memory_space<vmem>> -> memref<128x128xf32, #tpu.memory_space<vmem>>
      %dma_start3A_1067 = arith.constant 0 : i32
      %dma_start3A_1068 = tpu.memref_slice %arg4[%add3A_1061, %dma_start3A_1067] : memref<204800x128xf32, #tpu.memory_space<hbm>> -> memref<128x128xf32, #tpu.memory_space<hbm>>
      %dma_start3A_1069 = arith.constant 0 : i32
      %dma_start3A_1070 = tpu.memref_slice %arg4[%add3A_1061, %dma_start3A_1069] : memref<204800x128xf32, #tpu.memory_space<hbm>> -> memref<128x128xf32, #tpu.memory_space<hbm>>
      %dma_start3A_1071 = arith.constant 0 : i32
      %dma_start3A_1072 = arith.constant 0 : i32
      %dma_start3A_1073 = tpu.memref_slice %arg6[%dma_start3A_1062, %dma_start3A_1071, %dma_start3A_1072] : memref<7x128x128xf32, #tpu.memory_space<vmem>> -> memref<1x128x128xf32, #tpu.memory_space<vmem>>
      %dma_start3A_1074 = tpu.memref_squeeze %dma_start3A_1073 : memref<1x128x128xf32, #tpu.memory_space<vmem>> -> memref<128x128xf32, #tpu.memory_space<vmem>>
      tpu.enqueue_dma source(%dma_start3A_1074 : memref<128x128xf32, #tpu.memory_space<vmem>>) target(%dma_start3A_1070 : memref<128x128xf32, #tpu.memory_space<hbm>>) target_semaphore(%arg16 : memref<!tpu.dma_semaphore, #tpu.memory_space<semaphore_mem>>)
      %add3A_1075 = arith.constant 4 : i32
      %add3A_1076 = arith.addi %add3A_789, %add3A_1075 : i32
      %sub3A_1077 = arith.constant 2 : i32
      %sub3A_1078 = arith.subi %add3A_1076, %sub3A_1077 : i32
      %mul3A_1079 = arith.constant 128 : i32
      %mul3A_1080 = arith.muli %sub3A_1078, %mul3A_1079 : i32
      %add3A_1081 = arith.addi %mul3A_2, %mul3A_1080 : i32
      %dma_wait3A_1082 = arith.constant 0 : i32
      %dma_wait3A_1083 = arith.constant 0 : i32
      %dma_wait3A_1084 = arith.constant 0 : i32
      %dma_wait3A_1085 = tpu.memref_slice %arg6[%dma_wait3A_1082, %dma_wait3A_1083, %dma_wait3A_1084] : memref<7x128x128xf32, #tpu.memory_space<vmem>> -> memref<1x128x128xf32, #tpu.memory_space<vmem>>
      %dma_wait3A_1086 = tpu.memref_squeeze %dma_wait3A_1085 : memref<1x128x128xf32, #tpu.memory_space<vmem>> -> memref<128x128xf32, #tpu.memory_space<vmem>>
      %dma_wait3A_1087 = arith.constant 0 : i32
      %dma_wait3A_1088 = tpu.memref_slice %arg4[%add3A_1081, %dma_wait3A_1087] : memref<204800x128xf32, #tpu.memory_space<hbm>> -> memref<128x128xf32, #tpu.memory_space<hbm>>
      %dma_wait3A_1089 = arith.constant 0 : i32
      %dma_wait3A_1090 = tpu.memref_slice %arg4[%add3A_1081, %dma_wait3A_1089] : memref<204800x128xf32, #tpu.memory_space<hbm>> -> memref<128x128xf32, #tpu.memory_space<hbm>>
      %dma_wait3A_1091 = arith.constant 0 : i32
      %dma_wait3A_1092 = arith.constant 0 : i32
      %dma_wait3A_1093 = tpu.memref_slice %arg6[%dma_wait3A_1082, %dma_wait3A_1091, %dma_wait3A_1092] : memref<7x128x128xf32, #tpu.memory_space<vmem>> -> memref<1x128x128xf32, #tpu.memory_space<vmem>>
      %dma_wait3A_1094 = tpu.memref_squeeze %dma_wait3A_1093 : memref<1x128x128xf32, #tpu.memory_space<vmem>> -> memref<128x128xf32, #tpu.memory_space<vmem>>
      tpu.wait_dma2 semaphore(%arg14 : memref<!tpu.dma_semaphore, #tpu.memory_space<semaphore_mem>>) src(%dma_wait3A_1094 : memref<128x128xf32, #tpu.memory_space<vmem>>) dst(%dma_wait3A_1090 : memref<128x128xf32, #tpu.memory_space<hbm>>)
      %add3A_1095 = arith.constant 5 : i32
      %add3A_1096 = arith.addi %add3A_1076, %add3A_1095 : i32
      %mul3A_1097 = arith.constant 128 : i32
      %mul3A_1098 = arith.muli %add3A_1096, %mul3A_1097 : i32
      %multiple_of3A_1099 = tpu.assume_multiple %mul3A_1098, 128 : i32
      %dma_start3A_1100 = arith.constant 0 : i32
      %dma_start3A_1101 = arith.constant 0 : i32
      %dma_start3A_1102 = arith.constant 0 : i32
      %dma_start3A_1103 = tpu.memref_slice %arg6[%dma_start3A_1100, %dma_start3A_1101, %dma_start3A_1102] : memref<7x128x128xf32, #tpu.memory_space<vmem>> -> memref<1x128x128xf32, #tpu.memory_space<vmem>>
      %dma_start3A_1104 = tpu.memref_squeeze %dma_start3A_1103 : memref<1x128x128xf32, #tpu.memory_space<vmem>> -> memref<128x128xf32, #tpu.memory_space<vmem>>
      %dma_start3A_1105 = tpu.memref_slice %arg5[%multiple_of3A_1099] : memref<6400xi32, #tpu.memory_space<vmem>> -> memref<128xi32, #tpu.memory_space<vmem>>
      %dma_start3A_1106 = arith.constant 0 : i32
      %dma_start3A_1107 = arith.constant 0 : i32
      %dma_start3A_1108 = tpu.memref_slice %arg2[%dma_start3A_1106, %dma_start3A_1107] : memref<100000x128xf32, #tpu.memory_space<hbm>> -> memref<100000x128xf32, #tpu.memory_space<hbm>>
      tpu.enqueue_indirect_dma source(%dma_start3A_1108 : memref<100000x128xf32, #tpu.memory_space<hbm>>) target(%dma_start3A_1104 : memref<128x128xf32, #tpu.memory_space<vmem>>) offsets(%dma_start3A_1105 : memref<128xi32, #tpu.memory_space<vmem>>) semaphore(%arg7 : memref<!tpu.dma_semaphore, #tpu.memory_space<semaphore_mem>>)
      %add3A_1109 = arith.constant 5 : i32
      %add3A_1110 = arith.addi %add3A_789, %add3A_1109 : i32
      %mul3A_1111 = arith.constant 128 : i32
      %mul3A_1112 = arith.muli %add3A_1110, %mul3A_1111 : i32
      %multiple_of3A_1113 = tpu.assume_multiple %mul3A_1112, 128 : i32
      %dma_wait3A_1114 = arith.constant 3 : i32
      %dma_wait3A_1115 = arith.constant 0 : i32
      %dma_wait3A_1116 = arith.constant 0 : i32
      %dma_wait3A_1117 = tpu.memref_slice %arg6[%dma_wait3A_1114, %dma_wait3A_1115, %dma_wait3A_1116] : memref<7x128x128xf32, #tpu.memory_space<vmem>> -> memref<1x128x128xf32, #tpu.memory_space<vmem>>
      %dma_wait3A_1118 = tpu.memref_squeeze %dma_wait3A_1117 : memref<1x128x128xf32, #tpu.memory_space<vmem>> -> memref<128x128xf32, #tpu.memory_space<vmem>>
      %dma_wait3A_1119 = tpu.memref_slice %arg5[%multiple_of3A_1113] : memref<6400xi32, #tpu.memory_space<vmem>> -> memref<128xi32, #tpu.memory_space<vmem>>
      %dma_wait3A_1120 = arith.constant 0 : i32
      %dma_wait3A_1121 = arith.constant 0 : i32
      %dma_wait3A_1122 = tpu.memref_slice %arg2[%dma_wait3A_1120, %dma_wait3A_1121] : memref<100000x128xf32, #tpu.memory_space<hbm>> -> memref<100000x128xf32, #tpu.memory_space<hbm>>
      tpu.wait_indirect_dma semaphore(%arg10 : memref<!tpu.dma_semaphore, #tpu.memory_space<semaphore_mem>>) src(%dma_wait3A_1122 : memref<100000x128xf32, #tpu.memory_space<hbm>>) dst(%dma_wait3A_1118 : memref<128x128xf32, #tpu.memory_space<vmem>>)
      %mul3A_1123 = arith.constant 128 : i32
      %mul3A_1124 = arith.muli %add3A_1110, %mul3A_1123 : i32
      %add3A_1125 = arith.addi %mul3A_2, %mul3A_1124 : i32
      %dma_start3A_1126 = arith.constant 3 : i32
      %dma_start3A_1127 = arith.constant 0 : i32
      %dma_start3A_1128 = arith.constant 0 : i32
      %dma_start3A_1129 = tpu.memref_slice %arg6[%dma_start3A_1126, %dma_start3A_1127, %dma_start3A_1128] : memref<7x128x128xf32, #tpu.memory_space<vmem>> -> memref<1x128x128xf32, #tpu.memory_space<vmem>>
      %dma_start3A_1130 = tpu.memref_squeeze %dma_start3A_1129 : memref<1x128x128xf32, #tpu.memory_space<vmem>> -> memref<128x128xf32, #tpu.memory_space<vmem>>
      %dma_start3A_1131 = arith.constant 0 : i32
      %dma_start3A_1132 = tpu.memref_slice %arg4[%add3A_1125, %dma_start3A_1131] : memref<204800x128xf32, #tpu.memory_space<hbm>> -> memref<128x128xf32, #tpu.memory_space<hbm>>
      %dma_start3A_1133 = arith.constant 0 : i32
      %dma_start3A_1134 = tpu.memref_slice %arg4[%add3A_1125, %dma_start3A_1133] : memref<204800x128xf32, #tpu.memory_space<hbm>> -> memref<128x128xf32, #tpu.memory_space<hbm>>
      %dma_start3A_1135 = arith.constant 0 : i32
      %dma_start3A_1136 = arith.constant 0 : i32
      %dma_start3A_1137 = tpu.memref_slice %arg6[%dma_start3A_1126, %dma_start3A_1135, %dma_start3A_1136] : memref<7x128x128xf32, #tpu.memory_space<vmem>> -> memref<1x128x128xf32, #tpu.memory_space<vmem>>
      %dma_start3A_1138 = tpu.memref_squeeze %dma_start3A_1137 : memref<1x128x128xf32, #tpu.memory_space<vmem>> -> memref<128x128xf32, #tpu.memory_space<vmem>>
      tpu.enqueue_dma source(%dma_start3A_1138 : memref<128x128xf32, #tpu.memory_space<vmem>>) target(%dma_start3A_1134 : memref<128x128xf32, #tpu.memory_space<hbm>>) target_semaphore(%arg17 : memref<!tpu.dma_semaphore, #tpu.memory_space<semaphore_mem>>)
      %add3A_1139 = arith.constant 5 : i32
      %add3A_1140 = arith.addi %add3A_789, %add3A_1139 : i32
      %sub3A_1141 = arith.constant 2 : i32
      %sub3A_1142 = arith.subi %add3A_1140, %sub3A_1141 : i32
      %mul3A_1143 = arith.constant 128 : i32
      %mul3A_1144 = arith.muli %sub3A_1142, %mul3A_1143 : i32
      %add3A_1145 = arith.addi %mul3A_2, %mul3A_1144 : i32
      %dma_wait3A_1146 = arith.constant 1 : i32
      %dma_wait3A_1147 = arith.constant 0 : i32
      %dma_wait3A_1148 = arith.constant 0 : i32
      %dma_wait3A_1149 = tpu.memref_slice %arg6[%dma_wait3A_1146, %dma_wait3A_1147, %dma_wait3A_1148] : memref<7x128x128xf32, #tpu.memory_space<vmem>> -> memref<1x128x128xf32, #tpu.memory_space<vmem>>
      %dma_wait3A_1150 = tpu.memref_squeeze %dma_wait3A_1149 : memref<1x128x128xf32, #tpu.memory_space<vmem>> -> memref<128x128xf32, #tpu.memory_space<vmem>>
      %dma_wait3A_1151 = arith.constant 0 : i32
      %dma_wait3A_1152 = tpu.memref_slice %arg4[%add3A_1145, %dma_wait3A_1151] : memref<204800x128xf32, #tpu.memory_space<hbm>> -> memref<128x128xf32, #tpu.memory_space<hbm>>
      %dma_wait3A_1153 = arith.constant 0 : i32
      %dma_wait3A_1154 = tpu.memref_slice %arg4[%add3A_1145, %dma_wait3A_1153] : memref<204800x128xf32, #tpu.memory_space<hbm>> -> memref<128x128xf32, #tpu.memory_space<hbm>>
      %dma_wait3A_1155 = arith.constant 0 : i32
      %dma_wait3A_1156 = arith.constant 0 : i32
      %dma_wait3A_1157 = tpu.memref_slice %arg6[%dma_wait3A_1146, %dma_wait3A_1155, %dma_wait3A_1156] : memref<7x128x128xf32, #tpu.memory_space<vmem>> -> memref<1x128x128xf32, #tpu.memory_space<vmem>>
      %dma_wait3A_1158 = tpu.memref_squeeze %dma_wait3A_1157 : memref<1x128x128xf32, #tpu.memory_space<vmem>> -> memref<128x128xf32, #tpu.memory_space<vmem>>
      tpu.wait_dma2 semaphore(%arg15 : memref<!tpu.dma_semaphore, #tpu.memory_space<semaphore_mem>>) src(%dma_wait3A_1158 : memref<128x128xf32, #tpu.memory_space<vmem>>) dst(%dma_wait3A_1154 : memref<128x128xf32, #tpu.memory_space<hbm>>)
      %add3A_1159 = arith.constant 5 : i32
      %add3A_1160 = arith.addi %add3A_1140, %add3A_1159 : i32
      %mul3A_1161 = arith.constant 128 : i32
      %mul3A_1162 = arith.muli %add3A_1160, %mul3A_1161 : i32
      %multiple_of3A_1163 = tpu.assume_multiple %mul3A_1162, 128 : i32
      %dma_start3A_1164 = arith.constant 1 : i32
      %dma_start3A_1165 = arith.constant 0 : i32
      %dma_start3A_1166 = arith.constant 0 : i32
      %dma_start3A_1167 = tpu.memref_slice %arg6[%dma_start3A_1164, %dma_start3A_1165, %dma_start3A_1166] : memref<7x128x128xf32, #tpu.memory_space<vmem>> -> memref<1x128x128xf32, #tpu.memory_space<vmem>>
      %dma_start3A_1168 = tpu.memref_squeeze %dma_start3A_1167 : memref<1x128x128xf32, #tpu.memory_space<vmem>> -> memref<128x128xf32, #tpu.memory_space<vmem>>
      %dma_start3A_1169 = tpu.memref_slice %arg5[%multiple_of3A_1163] : memref<6400xi32, #tpu.memory_space<vmem>> -> memref<128xi32, #tpu.memory_space<vmem>>
      %dma_start3A_1170 = arith.constant 0 : i32
      %dma_start3A_1171 = arith.constant 0 : i32
      %dma_start3A_1172 = tpu.memref_slice %arg2[%dma_start3A_1170, %dma_start3A_1171] : memref<100000x128xf32, #tpu.memory_space<hbm>> -> memref<100000x128xf32, #tpu.memory_space<hbm>>
      tpu.enqueue_indirect_dma source(%dma_start3A_1172 : memref<100000x128xf32, #tpu.memory_space<hbm>>) target(%dma_start3A_1168 : memref<128x128xf32, #tpu.memory_space<vmem>>) offsets(%dma_start3A_1169 : memref<128xi32, #tpu.memory_space<vmem>>) semaphore(%arg8 : memref<!tpu.dma_semaphore, #tpu.memory_space<semaphore_mem>>)
      %add3A_1173 = arith.constant 6 : i32
      %add3A_1174 = arith.addi %add3A_789, %add3A_1173 : i32
      %mul3A_1175 = arith.constant 128 : i32
      %mul3A_1176 = arith.muli %add3A_1174, %mul3A_1175 : i32
      %multiple_of3A_1177 = tpu.assume_multiple %mul3A_1176, 128 : i32
      %dma_wait3A_1178 = arith.constant 4 : i32
      %dma_wait3A_1179 = arith.constant 0 : i32
      %dma_wait3A_1180 = arith.constant 0 : i32
      %dma_wait3A_1181 = tpu.memref_slice %arg6[%dma_wait3A_1178, %dma_wait3A_1179, %dma_wait3A_1180] : memref<7x128x128xf32, #tpu.memory_space<vmem>> -> memref<1x128x128xf32, #tpu.memory_space<vmem>>
      %dma_wait3A_1182 = tpu.memref_squeeze %dma_wait3A_1181 : memref<1x128x128xf32, #tpu.memory_space<vmem>> -> memref<128x128xf32, #tpu.memory_space<vmem>>
      %dma_wait3A_1183 = tpu.memref_slice %arg5[%multiple_of3A_1177] : memref<6400xi32, #tpu.memory_space<vmem>> -> memref<128xi32, #tpu.memory_space<vmem>>
      %dma_wait3A_1184 = arith.constant 0 : i32
      %dma_wait3A_1185 = arith.constant 0 : i32
      %dma_wait3A_1186 = tpu.memref_slice %arg2[%dma_wait3A_1184, %dma_wait3A_1185] : memref<100000x128xf32, #tpu.memory_space<hbm>> -> memref<100000x128xf32, #tpu.memory_space<hbm>>
      tpu.wait_indirect_dma semaphore(%arg11 : memref<!tpu.dma_semaphore, #tpu.memory_space<semaphore_mem>>) src(%dma_wait3A_1186 : memref<100000x128xf32, #tpu.memory_space<hbm>>) dst(%dma_wait3A_1182 : memref<128x128xf32, #tpu.memory_space<vmem>>)
      %mul3A_1187 = arith.constant 128 : i32
      %mul3A_1188 = arith.muli %add3A_1174, %mul3A_1187 : i32
      %add3A_1189 = arith.addi %mul3A_2, %mul3A_1188 : i32
      %dma_start3A_1190 = arith.constant 4 : i32
      %dma_start3A_1191 = arith.constant 0 : i32
      %dma_start3A_1192 = arith.constant 0 : i32
      %dma_start3A_1193 = tpu.memref_slice %arg6[%dma_start3A_1190, %dma_start3A_1191, %dma_start3A_1192] : memref<7x128x128xf32, #tpu.memory_space<vmem>> -> memref<1x128x128xf32, #tpu.memory_space<vmem>>
      %dma_start3A_1194 = tpu.memref_squeeze %dma_start3A_1193 : memref<1x128x128xf32, #tpu.memory_space<vmem>> -> memref<128x128xf32, #tpu.memory_space<vmem>>
      %dma_start3A_1195 = arith.constant 0 : i32
      %dma_start3A_1196 = tpu.memref_slice %arg4[%add3A_1189, %dma_start3A_1195] : memref<204800x128xf32, #tpu.memory_space<hbm>> -> memref<128x128xf32, #tpu.memory_space<hbm>>
      %dma_start3A_1197 = arith.constant 0 : i32
      %dma_start3A_1198 = tpu.memref_slice %arg4[%add3A_1189, %dma_start3A_1197] : memref<204800x128xf32, #tpu.memory_space<hbm>> -> memref<128x128xf32, #tpu.memory_space<hbm>>
      %dma_start3A_1199 = arith.constant 0 : i32
      %dma_start3A_1200 = arith.constant 0 : i32
      %dma_start3A_1201 = tpu.memref_slice %arg6[%dma_start3A_1190, %dma_start3A_1199, %dma_start3A_1200] : memref<7x128x128xf32, #tpu.memory_space<vmem>> -> memref<1x128x128xf32, #tpu.memory_space<vmem>>
      %dma_start3A_1202 = tpu.memref_squeeze %dma_start3A_1201 : memref<1x128x128xf32, #tpu.memory_space<vmem>> -> memref<128x128xf32, #tpu.memory_space<vmem>>
      tpu.enqueue_dma source(%dma_start3A_1202 : memref<128x128xf32, #tpu.memory_space<vmem>>) target(%dma_start3A_1198 : memref<128x128xf32, #tpu.memory_space<hbm>>) target_semaphore(%arg18 : memref<!tpu.dma_semaphore, #tpu.memory_space<semaphore_mem>>)
      %add3A_1203 = arith.constant 6 : i32
      %add3A_1204 = arith.addi %add3A_789, %add3A_1203 : i32
      %sub3A_1205 = arith.constant 2 : i32
      %sub3A_1206 = arith.subi %add3A_1204, %sub3A_1205 : i32
      %mul3A_1207 = arith.constant 128 : i32
      %mul3A_1208 = arith.muli %sub3A_1206, %mul3A_1207 : i32
      %add3A_1209 = arith.addi %mul3A_2, %mul3A_1208 : i32
      %dma_wait3A_1210 = arith.constant 2 : i32
      %dma_wait3A_1211 = arith.constant 0 : i32
      %dma_wait3A_1212 = arith.constant 0 : i32
      %dma_wait3A_1213 = tpu.memref_slice %arg6[%dma_wait3A_1210, %dma_wait3A_1211, %dma_wait3A_1212] : memref<7x128x128xf32, #tpu.memory_space<vmem>> -> memref<1x128x128xf32, #tpu.memory_space<vmem>>
      %dma_wait3A_1214 = tpu.memref_squeeze %dma_wait3A_1213 : memref<1x128x128xf32, #tpu.memory_space<vmem>> -> memref<128x128xf32, #tpu.memory_space<vmem>>
      %dma_wait3A_1215 = arith.constant 0 : i32
      %dma_wait3A_1216 = tpu.memref_slice %arg4[%add3A_1209, %dma_wait3A_1215] : memref<204800x128xf32, #tpu.memory_space<hbm>> -> memref<128x128xf32, #tpu.memory_space<hbm>>
      %dma_wait3A_1217 = arith.constant 0 : i32
      %dma_wait3A_1218 = tpu.memref_slice %arg4[%add3A_1209, %dma_wait3A_1217] : memref<204800x128xf32, #tpu.memory_space<hbm>> -> memref<128x128xf32, #tpu.memory_space<hbm>>
      %dma_wait3A_1219 = arith.constant 0 : i32
      %dma_wait3A_1220 = arith.constant 0 : i32
      %dma_wait3A_1221 = tpu.memref_slice %arg6[%dma_wait3A_1210, %dma_wait3A_1219, %dma_wait3A_1220] : memref<7x128x128xf32, #tpu.memory_space<vmem>> -> memref<1x128x128xf32, #tpu.memory_space<vmem>>
      %dma_wait3A_1222 = tpu.memref_squeeze %dma_wait3A_1221 : memref<1x128x128xf32, #tpu.memory_space<vmem>> -> memref<128x128xf32, #tpu.memory_space<vmem>>
      tpu.wait_dma2 semaphore(%arg16 : memref<!tpu.dma_semaphore, #tpu.memory_space<semaphore_mem>>) src(%dma_wait3A_1222 : memref<128x128xf32, #tpu.memory_space<vmem>>) dst(%dma_wait3A_1218 : memref<128x128xf32, #tpu.memory_space<hbm>>)
      %add3A_1223 = arith.constant 5 : i32
      %add3A_1224 = arith.addi %add3A_1204, %add3A_1223 : i32
      %mul3A_1225 = arith.constant 128 : i32
      %mul3A_1226 = arith.muli %add3A_1224, %mul3A_1225 : i32
      %multiple_of3A_1227 = tpu.assume_multiple %mul3A_1226, 128 : i32
      %dma_start3A_1228 = arith.constant 2 : i32
      %dma_start3A_1229 = arith.constant 0 : i32
      %dma_start3A_1230 = arith.constant 0 : i32
      %dma_start3A_1231 = tpu.memref_slice %arg6[%dma_start3A_1228, %dma_start3A_1229, %dma_start3A_1230] : memref<7x128x128xf32, #tpu.memory_space<vmem>> -> memref<1x128x128xf32, #tpu.memory_space<vmem>>
      %dma_start3A_1232 = tpu.memref_squeeze %dma_start3A_1231 : memref<1x128x128xf32, #tpu.memory_space<vmem>> -> memref<128x128xf32, #tpu.memory_space<vmem>>
      %dma_start3A_1233 = tpu.memref_slice %arg5[%multiple_of3A_1227] : memref<6400xi32, #tpu.memory_space<vmem>> -> memref<128xi32, #tpu.memory_space<vmem>>
      %dma_start3A_1234 = arith.constant 0 : i32
      %dma_start3A_1235 = arith.constant 0 : i32
      %dma_start3A_1236 = tpu.memref_slice %arg2[%dma_start3A_1234, %dma_start3A_1235] : memref<100000x128xf32, #tpu.memory_space<hbm>> -> memref<100000x128xf32, #tpu.memory_space<hbm>>
      tpu.enqueue_indirect_dma source(%dma_start3A_1236 : memref<100000x128xf32, #tpu.memory_space<hbm>>) target(%dma_start3A_1232 : memref<128x128xf32, #tpu.memory_space<vmem>>) offsets(%dma_start3A_1233 : memref<128xi32, #tpu.memory_space<vmem>>) semaphore(%arg9 : memref<!tpu.dma_semaphore, #tpu.memory_space<semaphore_mem>>)
    }
    %scan3A_289 = arith.constant 5 : i32
    %multiple_of3A_290 = arith.constant 5120 : i32
    %multiple_of3A_291 = tpu.assume_multiple %multiple_of3A_290, 128 : i32
    %dma_wait3A_292 = arith.constant 5 : i32
    %dma_wait3A_293 = arith.constant 0 : i32
    %dma_wait3A_294 = arith.constant 0 : i32
    %dma_wait3A_295 = tpu.memref_slice %arg6[%dma_wait3A_292, %dma_wait3A_293, %dma_wait3A_294] : memref<7x128x128xf32, #tpu.memory_space<vmem>> -> memref<1x128x128xf32, #tpu.memory_space<vmem>>
    %dma_wait3A_296 = tpu.memref_squeeze %dma_wait3A_295 : memref<1x128x128xf32, #tpu.memory_space<vmem>> -> memref<128x128xf32, #tpu.memory_space<vmem>>
    %dma_wait3A_297 = tpu.memref_slice %arg5[%multiple_of3A_291] : memref<6400xi32, #tpu.memory_space<vmem>> -> memref<128xi32, #tpu.memory_space<vmem>>
    %dma_wait3A_298 = arith.constant 0 : i32
    %dma_wait3A_299 = arith.constant 0 : i32
    %dma_wait3A_300 = tpu.memref_slice %arg2[%dma_wait3A_298, %dma_wait3A_299] : memref<100000x128xf32, #tpu.memory_space<hbm>> -> memref<100000x128xf32, #tpu.memory_space<hbm>>
    tpu.wait_indirect_dma semaphore(%arg12 : memref<!tpu.dma_semaphore, #tpu.memory_space<semaphore_mem>>) src(%dma_wait3A_300 : memref<100000x128xf32, #tpu.memory_space<hbm>>) dst(%dma_wait3A_296 : memref<128x128xf32, #tpu.memory_space<vmem>>)
    %add3A_301 = arith.constant 5120 : i32
    %add3A_302 = arith.addi %mul3A_2, %add3A_301 : i32
    %dma_start3A_303 = arith.constant 5 : i32
    %dma_start3A_304 = arith.constant 0 : i32
    %dma_start3A_305 = arith.constant 0 : i32
    %dma_start3A_306 = tpu.memref_slice %arg6[%dma_start3A_303, %dma_start3A_304, %dma_start3A_305] : memref<7x128x128xf32, #tpu.memory_space<vmem>> -> memref<1x128x128xf32, #tpu.memory_space<vmem>>
    %dma_start3A_307 = tpu.memref_squeeze %dma_start3A_306 : memref<1x128x128xf32, #tpu.memory_space<vmem>> -> memref<128x128xf32, #tpu.memory_space<vmem>>
    %dma_start3A_308 = arith.constant 0 : i32
    %dma_start3A_309 = tpu.memref_slice %arg4[%add3A_302, %dma_start3A_308] : memref<204800x128xf32, #tpu.memory_space<hbm>> -> memref<128x128xf32, #tpu.memory_space<hbm>>
    %dma_start3A_310 = arith.constant 0 : i32
    %dma_start3A_311 = tpu.memref_slice %arg4[%add3A_302, %dma_start3A_310] : memref<204800x128xf32, #tpu.memory_space<hbm>> -> memref<128x128xf32, #tpu.memory_space<hbm>>
    %dma_start3A_312 = arith.constant 0 : i32
    %dma_start3A_313 = arith.constant 0 : i32
    %dma_start3A_314 = tpu.memref_slice %arg6[%dma_start3A_303, %dma_start3A_312, %dma_start3A_313] : memref<7x128x128xf32, #tpu.memory_space<vmem>> -> memref<1x128x128xf32, #tpu.memory_space<vmem>>
    %dma_start3A_315 = tpu.memref_squeeze %dma_start3A_314 : memref<1x128x128xf32, #tpu.memory_space<vmem>> -> memref<128x128xf32, #tpu.memory_space<vmem>>
    tpu.enqueue_dma source(%dma_start3A_315 : memref<128x128xf32, #tpu.memory_space<vmem>>) target(%dma_start3A_311 : memref<128x128xf32, #tpu.memory_space<hbm>>) target_semaphore(%arg19 : memref<!tpu.dma_semaphore, #tpu.memory_space<semaphore_mem>>)
    %add3A_316 = arith.constant 4864 : i32
    %add3A_317 = arith.addi %mul3A_2, %add3A_316 : i32
    %dma_wait3A_318 = arith.constant 3 : i32
    %dma_wait3A_319 = arith.constant 0 : i32
    %dma_wait3A_320 = arith.constant 0 : i32
    %dma_wait3A_321 = tpu.memref_slice %arg6[%dma_wait3A_318, %dma_wait3A_319, %dma_wait3A_320] : memref<7x128x128xf32, #tpu.memory_space<vmem>> -> memref<1x128x128xf32, #tpu.memory_space<vmem>>
    %dma_wait3A_322 = tpu.memref_squeeze %dma_wait3A_321 : memref<1x128x128xf32, #tpu.memory_space<vmem>> -> memref<128x128xf32, #tpu.memory_space<vmem>>
    %dma_wait3A_323 = arith.constant 0 : i32
    %dma_wait3A_324 = tpu.memref_slice %arg4[%add3A_317, %dma_wait3A_323] : memref<204800x128xf32, #tpu.memory_space<hbm>> -> memref<128x128xf32, #tpu.memory_space<hbm>>
    %dma_wait3A_325 = arith.constant 0 : i32
    %dma_wait3A_326 = tpu.memref_slice %arg4[%add3A_317, %dma_wait3A_325] : memref<204800x128xf32, #tpu.memory_space<hbm>> -> memref<128x128xf32, #tpu.memory_space<hbm>>
    %dma_wait3A_327 = arith.constant 0 : i32
    %dma_wait3A_328 = arith.constant 0 : i32
    %dma_wait3A_329 = tpu.memref_slice %arg6[%dma_wait3A_318, %dma_wait3A_327, %dma_wait3A_328] : memref<7x128x128xf32, #tpu.memory_space<vmem>> -> memref<1x128x128xf32, #tpu.memory_space<vmem>>
    %dma_wait3A_330 = tpu.memref_squeeze %dma_wait3A_329 : memref<1x128x128xf32, #tpu.memory_space<vmem>> -> memref<128x128xf32, #tpu.memory_space<vmem>>
    tpu.wait_dma2 semaphore(%arg17 : memref<!tpu.dma_semaphore, #tpu.memory_space<semaphore_mem>>) src(%dma_wait3A_330 : memref<128x128xf32, #tpu.memory_space<vmem>>) dst(%dma_wait3A_326 : memref<128x128xf32, #tpu.memory_space<hbm>>)
    %multiple_of3A_331 = arith.constant 5760 : i32
    %multiple_of3A_332 = tpu.assume_multiple %multiple_of3A_331, 128 : i32
    %dma_start3A_333 = arith.constant 3 : i32
    %dma_start3A_334 = arith.constant 0 : i32
    %dma_start3A_335 = arith.constant 0 : i32
    %dma_start3A_336 = tpu.memref_slice %arg6[%dma_start3A_333, %dma_start3A_334, %dma_start3A_335] : memref<7x128x128xf32, #tpu.memory_space<vmem>> -> memref<1x128x128xf32, #tpu.memory_space<vmem>>
    %dma_start3A_337 = tpu.memref_squeeze %dma_start3A_336 : memref<1x128x128xf32, #tpu.memory_space<vmem>> -> memref<128x128xf32, #tpu.memory_space<vmem>>
    %dma_start3A_338 = tpu.memref_slice %arg5[%multiple_of3A_332] : memref<6400xi32, #tpu.memory_space<vmem>> -> memref<128xi32, #tpu.memory_space<vmem>>
    %dma_start3A_339 = arith.constant 0 : i32
    %dma_start3A_340 = arith.constant 0 : i32
    %dma_start3A_341 = tpu.memref_slice %arg2[%dma_start3A_339, %dma_start3A_340] : memref<100000x128xf32, #tpu.memory_space<hbm>> -> memref<100000x128xf32, #tpu.memory_space<hbm>>
    tpu.enqueue_indirect_dma source(%dma_start3A_341 : memref<100000x128xf32, #tpu.memory_space<hbm>>) target(%dma_start3A_337 : memref<128x128xf32, #tpu.memory_space<vmem>>) offsets(%dma_start3A_338 : memref<128xi32, #tpu.memory_space<vmem>>) semaphore(%arg10 : memref<!tpu.dma_semaphore, #tpu.memory_space<semaphore_mem>>)
    %multiple_of3A_342 = arith.constant 5248 : i32
    %multiple_of3A_343 = tpu.assume_multiple %multiple_of3A_342, 128 : i32
    %dma_wait3A_344 = arith.constant 6 : i32
    %dma_wait3A_345 = arith.constant 0 : i32
    %dma_wait3A_346 = arith.constant 0 : i32
    %dma_wait3A_347 = tpu.memref_slice %arg6[%dma_wait3A_344, %dma_wait3A_345, %dma_wait3A_346] : memref<7x128x128xf32, #tpu.memory_space<vmem>> -> memref<1x128x128xf32, #tpu.memory_space<vmem>>
    %dma_wait3A_348 = tpu.memref_squeeze %dma_wait3A_347 : memref<1x128x128xf32, #tpu.memory_space<vmem>> -> memref<128x128xf32, #tpu.memory_space<vmem>>
    %dma_wait3A_349 = tpu.memref_slice %arg5[%multiple_of3A_343] : memref<6400xi32, #tpu.memory_space<vmem>> -> memref<128xi32, #tpu.memory_space<vmem>>
    %dma_wait3A_350 = arith.constant 0 : i32
    %dma_wait3A_351 = arith.constant 0 : i32
    %dma_wait3A_352 = tpu.memref_slice %arg2[%dma_wait3A_350, %dma_wait3A_351] : memref<100000x128xf32, #tpu.memory_space<hbm>> -> memref<100000x128xf32, #tpu.memory_space<hbm>>
    tpu.wait_indirect_dma semaphore(%arg13 : memref<!tpu.dma_semaphore, #tpu.memory_space<semaphore_mem>>) src(%dma_wait3A_352 : memref<100000x128xf32, #tpu.memory_space<hbm>>) dst(%dma_wait3A_348 : memref<128x128xf32, #tpu.memory_space<vmem>>)
    %add3A_353 = arith.constant 5248 : i32
    %add3A_354 = arith.addi %mul3A_2, %add3A_353 : i32
    %dma_start3A_355 = arith.constant 6 : i32
    %dma_start3A_356 = arith.constant 0 : i32
    %dma_start3A_357 = arith.constant 0 : i32
    %dma_start3A_358 = tpu.memref_slice %arg6[%dma_start3A_355, %dma_start3A_356, %dma_start3A_357] : memref<7x128x128xf32, #tpu.memory_space<vmem>> -> memref<1x128x128xf32, #tpu.memory_space<vmem>>
    %dma_start3A_359 = tpu.memref_squeeze %dma_start3A_358 : memref<1x128x128xf32, #tpu.memory_space<vmem>> -> memref<128x128xf32, #tpu.memory_space<vmem>>
    %dma_start3A_360 = arith.constant 0 : i32
    %dma_start3A_361 = tpu.memref_slice %arg4[%add3A_354, %dma_start3A_360] : memref<204800x128xf32, #tpu.memory_space<hbm>> -> memref<128x128xf32, #tpu.memory_space<hbm>>
    %dma_start3A_362 = arith.constant 0 : i32
    %dma_start3A_363 = tpu.memref_slice %arg4[%add3A_354, %dma_start3A_362] : memref<204800x128xf32, #tpu.memory_space<hbm>> -> memref<128x128xf32, #tpu.memory_space<hbm>>
    %dma_start3A_364 = arith.constant 0 : i32
    %dma_start3A_365 = arith.constant 0 : i32
    %dma_start3A_366 = tpu.memref_slice %arg6[%dma_start3A_355, %dma_start3A_364, %dma_start3A_365] : memref<7x128x128xf32, #tpu.memory_space<vmem>> -> memref<1x128x128xf32, #tpu.memory_space<vmem>>
    %dma_start3A_367 = tpu.memref_squeeze %dma_start3A_366 : memref<1x128x128xf32, #tpu.memory_space<vmem>> -> memref<128x128xf32, #tpu.memory_space<vmem>>
    tpu.enqueue_dma source(%dma_start3A_367 : memref<128x128xf32, #tpu.memory_space<vmem>>) target(%dma_start3A_363 : memref<128x128xf32, #tpu.memory_space<hbm>>) target_semaphore(%arg20 : memref<!tpu.dma_semaphore, #tpu.memory_space<semaphore_mem>>)
    %add3A_368 = arith.constant 4992 : i32
    %add3A_369 = arith.addi %mul3A_2, %add3A_368 : i32
    %dma_wait3A_370 = arith.constant 4 : i32
    %dma_wait3A_371 = arith.constant 0 : i32
    %dma_wait3A_372 = arith.constant 0 : i32
    %dma_wait3A_373 = tpu.memref_slice %arg6[%dma_wait3A_370, %dma_wait3A_371, %dma_wait3A_372] : memref<7x128x128xf32, #tpu.memory_space<vmem>> -> memref<1x128x128xf32, #tpu.memory_space<vmem>>
    %dma_wait3A_374 = tpu.memref_squeeze %dma_wait3A_373 : memref<1x128x128xf32, #tpu.memory_space<vmem>> -> memref<128x128xf32, #tpu.memory_space<vmem>>
    %dma_wait3A_375 = arith.constant 0 : i32
    %dma_wait3A_376 = tpu.memref_slice %arg4[%add3A_369, %dma_wait3A_375] : memref<204800x128xf32, #tpu.memory_space<hbm>> -> memref<128x128xf32, #tpu.memory_space<hbm>>
    %dma_wait3A_377 = arith.constant 0 : i32
    %dma_wait3A_378 = tpu.memref_slice %arg4[%add3A_369, %dma_wait3A_377] : memref<204800x128xf32, #tpu.memory_space<hbm>> -> memref<128x128xf32, #tpu.memory_space<hbm>>
    %dma_wait3A_379 = arith.constant 0 : i32
    %dma_wait3A_380 = arith.constant 0 : i32
    %dma_wait3A_381 = tpu.memref_slice %arg6[%dma_wait3A_370, %dma_wait3A_379, %dma_wait3A_380] : memref<7x128x128xf32, #tpu.memory_space<vmem>> -> memref<1x128x128xf32, #tpu.memory_space<vmem>>
    %dma_wait3A_382 = tpu.memref_squeeze %dma_wait3A_381 : memref<1x128x128xf32, #tpu.memory_space<vmem>> -> memref<128x128xf32, #tpu.memory_space<vmem>>
    tpu.wait_dma2 semaphore(%arg18 : memref<!tpu.dma_semaphore, #tpu.memory_space<semaphore_mem>>) src(%dma_wait3A_382 : memref<128x128xf32, #tpu.memory_space<vmem>>) dst(%dma_wait3A_378 : memref<128x128xf32, #tpu.memory_space<hbm>>)
    %multiple_of3A_383 = arith.constant 5888 : i32
    %multiple_of3A_384 = tpu.assume_multiple %multiple_of3A_383, 128 : i32
    %dma_start3A_385 = arith.constant 4 : i32
    %dma_start3A_386 = arith.constant 0 : i32
    %dma_start3A_387 = arith.constant 0 : i32
    %dma_start3A_388 = tpu.memref_slice %arg6[%dma_start3A_385, %dma_start3A_386, %dma_start3A_387] : memref<7x128x128xf32, #tpu.memory_space<vmem>> -> memref<1x128x128xf32, #tpu.memory_space<vmem>>
    %dma_start3A_389 = tpu.memref_squeeze %dma_start3A_388 : memref<1x128x128xf32, #tpu.memory_space<vmem>> -> memref<128x128xf32, #tpu.memory_space<vmem>>
    %dma_start3A_390 = tpu.memref_slice %arg5[%multiple_of3A_384] : memref<6400xi32, #tpu.memory_space<vmem>> -> memref<128xi32, #tpu.memory_space<vmem>>
    %dma_start3A_391 = arith.constant 0 : i32
    %dma_start3A_392 = arith.constant 0 : i32
    %dma_start3A_393 = tpu.memref_slice %arg2[%dma_start3A_391, %dma_start3A_392] : memref<100000x128xf32, #tpu.memory_space<hbm>> -> memref<100000x128xf32, #tpu.memory_space<hbm>>
    tpu.enqueue_indirect_dma source(%dma_start3A_393 : memref<100000x128xf32, #tpu.memory_space<hbm>>) target(%dma_start3A_389 : memref<128x128xf32, #tpu.memory_space<vmem>>) offsets(%dma_start3A_390 : memref<128xi32, #tpu.memory_space<vmem>>) semaphore(%arg11 : memref<!tpu.dma_semaphore, #tpu.memory_space<semaphore_mem>>)
    %multiple_of3A_394 = arith.constant 5376 : i32
    %multiple_of3A_395 = tpu.assume_multiple %multiple_of3A_394, 128 : i32
    %dma_wait3A_396 = arith.constant 0 : i32
    %dma_wait3A_397 = arith.constant 0 : i32
    %dma_wait3A_398 = arith.constant 0 : i32
    %dma_wait3A_399 = tpu.memref_slice %arg6[%dma_wait3A_396, %dma_wait3A_397, %dma_wait3A_398] : memref<7x128x128xf32, #tpu.memory_space<vmem>> -> memref<1x128x128xf32, #tpu.memory_space<vmem>>
    %dma_wait3A_400 = tpu.memref_squeeze %dma_wait3A_399 : memref<1x128x128xf32, #tpu.memory_space<vmem>> -> memref<128x128xf32, #tpu.memory_space<vmem>>
    %dma_wait3A_401 = tpu.memref_slice %arg5[%multiple_of3A_395] : memref<6400xi32, #tpu.memory_space<vmem>> -> memref<128xi32, #tpu.memory_space<vmem>>
    %dma_wait3A_402 = arith.constant 0 : i32
    %dma_wait3A_403 = arith.constant 0 : i32
    %dma_wait3A_404 = tpu.memref_slice %arg2[%dma_wait3A_402, %dma_wait3A_403] : memref<100000x128xf32, #tpu.memory_space<hbm>> -> memref<100000x128xf32, #tpu.memory_space<hbm>>
    tpu.wait_indirect_dma semaphore(%arg7 : memref<!tpu.dma_semaphore, #tpu.memory_space<semaphore_mem>>) src(%dma_wait3A_404 : memref<100000x128xf32, #tpu.memory_space<hbm>>) dst(%dma_wait3A_400 : memref<128x128xf32, #tpu.memory_space<vmem>>)
    %add3A_405 = arith.constant 5376 : i32
    %add3A_406 = arith.addi %mul3A_2, %add3A_405 : i32
    %dma_start3A_407 = arith.constant 0 : i32
    %dma_start3A_408 = arith.constant 0 : i32
    %dma_start3A_409 = arith.constant 0 : i32
    %dma_start3A_410 = tpu.memref_slice %arg6[%dma_start3A_407, %dma_start3A_408, %dma_start3A_409] : memref<7x128x128xf32, #tpu.memory_space<vmem>> -> memref<1x128x128xf32, #tpu.memory_space<vmem>>
    %dma_start3A_411 = tpu.memref_squeeze %dma_start3A_410 : memref<1x128x128xf32, #tpu.memory_space<vmem>> -> memref<128x128xf32, #tpu.memory_space<vmem>>
    %dma_start3A_412 = arith.constant 0 : i32
    %dma_start3A_413 = tpu.memref_slice %arg4[%add3A_406, %dma_start3A_412] : memref<204800x128xf32, #tpu.memory_space<hbm>> -> memref<128x128xf32, #tpu.memory_space<hbm>>
    %dma_start3A_414 = arith.constant 0 : i32
    %dma_start3A_415 = tpu.memref_slice %arg4[%add3A_406, %dma_start3A_414] : memref<204800x128xf32, #tpu.memory_space<hbm>> -> memref<128x128xf32, #tpu.memory_space<hbm>>
    %dma_start3A_416 = arith.constant 0 : i32
    %dma_start3A_417 = arith.constant 0 : i32
    %dma_start3A_418 = tpu.memref_slice %arg6[%dma_start3A_407, %dma_start3A_416, %dma_start3A_417] : memref<7x128x128xf32, #tpu.memory_space<vmem>> -> memref<1x128x128xf32, #tpu.memory_space<vmem>>
    %dma_start3A_419 = tpu.memref_squeeze %dma_start3A_418 : memref<1x128x128xf32, #tpu.memory_space<vmem>> -> memref<128x128xf32, #tpu.memory_space<vmem>>
    tpu.enqueue_dma source(%dma_start3A_419 : memref<128x128xf32, #tpu.memory_space<vmem>>) target(%dma_start3A_415 : memref<128x128xf32, #tpu.memory_space<hbm>>) target_semaphore(%arg14 : memref<!tpu.dma_semaphore, #tpu.memory_space<semaphore_mem>>)
    %add3A_420 = arith.constant 5120 : i32
    %add3A_421 = arith.addi %mul3A_2, %add3A_420 : i32
    %dma_wait3A_422 = arith.constant 5 : i32
    %dma_wait3A_423 = arith.constant 0 : i32
    %dma_wait3A_424 = arith.constant 0 : i32
    %dma_wait3A_425 = tpu.memref_slice %arg6[%dma_wait3A_422, %dma_wait3A_423, %dma_wait3A_424] : memref<7x128x128xf32, #tpu.memory_space<vmem>> -> memref<1x128x128xf32, #tpu.memory_space<vmem>>
    %dma_wait3A_426 = tpu.memref_squeeze %dma_wait3A_425 : memref<1x128x128xf32, #tpu.memory_space<vmem>> -> memref<128x128xf32, #tpu.memory_space<vmem>>
    %dma_wait3A_427 = arith.constant 0 : i32
    %dma_wait3A_428 = tpu.memref_slice %arg4[%add3A_421, %dma_wait3A_427] : memref<204800x128xf32, #tpu.memory_space<hbm>> -> memref<128x128xf32, #tpu.memory_space<hbm>>
    %dma_wait3A_429 = arith.constant 0 : i32
    %dma_wait3A_430 = tpu.memref_slice %arg4[%add3A_421, %dma_wait3A_429] : memref<204800x128xf32, #tpu.memory_space<hbm>> -> memref<128x128xf32, #tpu.memory_space<hbm>>
    %dma_wait3A_431 = arith.constant 0 : i32
    %dma_wait3A_432 = arith.constant 0 : i32
    %dma_wait3A_433 = tpu.memref_slice %arg6[%dma_wait3A_422, %dma_wait3A_431, %dma_wait3A_432] : memref<7x128x128xf32, #tpu.memory_space<vmem>> -> memref<1x128x128xf32, #tpu.memory_space<vmem>>
    %dma_wait3A_434 = tpu.memref_squeeze %dma_wait3A_433 : memref<1x128x128xf32, #tpu.memory_space<vmem>> -> memref<128x128xf32, #tpu.memory_space<vmem>>
    tpu.wait_dma2 semaphore(%arg19 : memref<!tpu.dma_semaphore, #tpu.memory_space<semaphore_mem>>) src(%dma_wait3A_434 : memref<128x128xf32, #tpu.memory_space<vmem>>) dst(%dma_wait3A_430 : memref<128x128xf32, #tpu.memory_space<hbm>>)
    %multiple_of3A_435 = arith.constant 6016 : i32
    %multiple_of3A_436 = tpu.assume_multiple %multiple_of3A_435, 128 : i32
    %dma_start3A_437 = arith.constant 5 : i32
    %dma_start3A_438 = arith.constant 0 : i32
    %dma_start3A_439 = arith.constant 0 : i32
    %dma_start3A_440 = tpu.memref_slice %arg6[%dma_start3A_437, %dma_start3A_438, %dma_start3A_439] : memref<7x128x128xf32, #tpu.memory_space<vmem>> -> memref<1x128x128xf32, #tpu.memory_space<vmem>>
    %dma_start3A_441 = tpu.memref_squeeze %dma_start3A_440 : memref<1x128x128xf32, #tpu.memory_space<vmem>> -> memref<128x128xf32, #tpu.memory_space<vmem>>
    %dma_start3A_442 = tpu.memref_slice %arg5[%multiple_of3A_436] : memref<6400xi32, #tpu.memory_space<vmem>> -> memref<128xi32, #tpu.memory_space<vmem>>
    %dma_start3A_443 = arith.constant 0 : i32
    %dma_start3A_444 = arith.constant 0 : i32
    %dma_start3A_445 = tpu.memref_slice %arg2[%dma_start3A_443, %dma_start3A_444] : memref<100000x128xf32, #tpu.memory_space<hbm>> -> memref<100000x128xf32, #tpu.memory_space<hbm>>
    tpu.enqueue_indirect_dma source(%dma_start3A_445 : memref<100000x128xf32, #tpu.memory_space<hbm>>) target(%dma_start3A_441 : memref<128x128xf32, #tpu.memory_space<vmem>>) offsets(%dma_start3A_442 : memref<128xi32, #tpu.memory_space<vmem>>) semaphore(%arg12 : memref<!tpu.dma_semaphore, #tpu.memory_space<semaphore_mem>>)
    %multiple_of3A_446 = arith.constant 5504 : i32
    %multiple_of3A_447 = tpu.assume_multiple %multiple_of3A_446, 128 : i32
    %dma_wait3A_448 = arith.constant 1 : i32
    %dma_wait3A_449 = arith.constant 0 : i32
    %dma_wait3A_450 = arith.constant 0 : i32
    %dma_wait3A_451 = tpu.memref_slice %arg6[%dma_wait3A_448, %dma_wait3A_449, %dma_wait3A_450] : memref<7x128x128xf32, #tpu.memory_space<vmem>> -> memref<1x128x128xf32, #tpu.memory_space<vmem>>
    %dma_wait3A_452 = tpu.memref_squeeze %dma_wait3A_451 : memref<1x128x128xf32, #tpu.memory_space<vmem>> -> memref<128x128xf32, #tpu.memory_space<vmem>>
    %dma_wait3A_453 = tpu.memref_slice %arg5[%multiple_of3A_447] : memref<6400xi32, #tpu.memory_space<vmem>> -> memref<128xi32, #tpu.memory_space<vmem>>
    %dma_wait3A_454 = arith.constant 0 : i32
    %dma_wait3A_455 = arith.constant 0 : i32
    %dma_wait3A_456 = tpu.memref_slice %arg2[%dma_wait3A_454, %dma_wait3A_455] : memref<100000x128xf32, #tpu.memory_space<hbm>> -> memref<100000x128xf32, #tpu.memory_space<hbm>>
    tpu.wait_indirect_dma semaphore(%arg8 : memref<!tpu.dma_semaphore, #tpu.memory_space<semaphore_mem>>) src(%dma_wait3A_456 : memref<100000x128xf32, #tpu.memory_space<hbm>>) dst(%dma_wait3A_452 : memref<128x128xf32, #tpu.memory_space<vmem>>)
    %add3A_457 = arith.constant 5504 : i32
    %add3A_458 = arith.addi %mul3A_2, %add3A_457 : i32
    %dma_start3A_459 = arith.constant 1 : i32
    %dma_start3A_460 = arith.constant 0 : i32
    %dma_start3A_461 = arith.constant 0 : i32
    %dma_start3A_462 = tpu.memref_slice %arg6[%dma_start3A_459, %dma_start3A_460, %dma_start3A_461] : memref<7x128x128xf32, #tpu.memory_space<vmem>> -> memref<1x128x128xf32, #tpu.memory_space<vmem>>
    %dma_start3A_463 = tpu.memref_squeeze %dma_start3A_462 : memref<1x128x128xf32, #tpu.memory_space<vmem>> -> memref<128x128xf32, #tpu.memory_space<vmem>>
    %dma_start3A_464 = arith.constant 0 : i32
    %dma_start3A_465 = tpu.memref_slice %arg4[%add3A_458, %dma_start3A_464] : memref<204800x128xf32, #tpu.memory_space<hbm>> -> memref<128x128xf32, #tpu.memory_space<hbm>>
    %dma_start3A_466 = arith.constant 0 : i32
    %dma_start3A_467 = tpu.memref_slice %arg4[%add3A_458, %dma_start3A_466] : memref<204800x128xf32, #tpu.memory_space<hbm>> -> memref<128x128xf32, #tpu.memory_space<hbm>>
    %dma_start3A_468 = arith.constant 0 : i32
    %dma_start3A_469 = arith.constant 0 : i32
    %dma_start3A_470 = tpu.memref_slice %arg6[%dma_start3A_459, %dma_start3A_468, %dma_start3A_469] : memref<7x128x128xf32, #tpu.memory_space<vmem>> -> memref<1x128x128xf32, #tpu.memory_space<vmem>>
    %dma_start3A_471 = tpu.memref_squeeze %dma_start3A_470 : memref<1x128x128xf32, #tpu.memory_space<vmem>> -> memref<128x128xf32, #tpu.memory_space<vmem>>
    tpu.enqueue_dma source(%dma_start3A_471 : memref<128x128xf32, #tpu.memory_space<vmem>>) target(%dma_start3A_467 : memref<128x128xf32, #tpu.memory_space<hbm>>) target_semaphore(%arg15 : memref<!tpu.dma_semaphore, #tpu.memory_space<semaphore_mem>>)
    %add3A_472 = arith.constant 5248 : i32
    %add3A_473 = arith.addi %mul3A_2, %add3A_472 : i32
    %dma_wait3A_474 = arith.constant 6 : i32
    %dma_wait3A_475 = arith.constant 0 : i32
    %dma_wait3A_476 = arith.constant 0 : i32
    %dma_wait3A_477 = tpu.memref_slice %arg6[%dma_wait3A_474, %dma_wait3A_475, %dma_wait3A_476] : memref<7x128x128xf32, #tpu.memory_space<vmem>> -> memref<1x128x128xf32, #tpu.memory_space<vmem>>
    %dma_wait3A_478 = tpu.memref_squeeze %dma_wait3A_477 : memref<1x128x128xf32, #tpu.memory_space<vmem>> -> memref<128x128xf32, #tpu.memory_space<vmem>>
    %dma_wait3A_479 = arith.constant 0 : i32
    %dma_wait3A_480 = tpu.memref_slice %arg4[%add3A_473, %dma_wait3A_479] : memref<204800x128xf32, #tpu.memory_space<hbm>> -> memref<128x128xf32, #tpu.memory_space<hbm>>
    %dma_wait3A_481 = arith.constant 0 : i32
    %dma_wait3A_482 = tpu.memref_slice %arg4[%add3A_473, %dma_wait3A_481] : memref<204800x128xf32, #tpu.memory_space<hbm>> -> memref<128x128xf32, #tpu.memory_space<hbm>>
    %dma_wait3A_483 = arith.constant 0 : i32
    %dma_wait3A_484 = arith.constant 0 : i32
    %dma_wait3A_485 = tpu.memref_slice %arg6[%dma_wait3A_474, %dma_wait3A_483, %dma_wait3A_484] : memref<7x128x128xf32, #tpu.memory_space<vmem>> -> memref<1x128x128xf32, #tpu.memory_space<vmem>>
    %dma_wait3A_486 = tpu.memref_squeeze %dma_wait3A_485 : memref<1x128x128xf32, #tpu.memory_space<vmem>> -> memref<128x128xf32, #tpu.memory_space<vmem>>
    tpu.wait_dma2 semaphore(%arg20 : memref<!tpu.dma_semaphore, #tpu.memory_space<semaphore_mem>>) src(%dma_wait3A_486 : memref<128x128xf32, #tpu.memory_space<vmem>>) dst(%dma_wait3A_482 : memref<128x128xf32, #tpu.memory_space<hbm>>)
    %multiple_of3A_487 = arith.constant 6144 : i32
    %multiple_of3A_488 = tpu.assume_multiple %multiple_of3A_487, 128 : i32
    %dma_start3A_489 = arith.constant 6 : i32
    %dma_start3A_490 = arith.constant 0 : i32
    %dma_start3A_491 = arith.constant 0 : i32
    %dma_start3A_492 = tpu.memref_slice %arg6[%dma_start3A_489, %dma_start3A_490, %dma_start3A_491] : memref<7x128x128xf32, #tpu.memory_space<vmem>> -> memref<1x128x128xf32, #tpu.memory_space<vmem>>
    %dma_start3A_493 = tpu.memref_squeeze %dma_start3A_492 : memref<1x128x128xf32, #tpu.memory_space<vmem>> -> memref<128x128xf32, #tpu.memory_space<vmem>>
    %dma_start3A_494 = tpu.memref_slice %arg5[%multiple_of3A_488] : memref<6400xi32, #tpu.memory_space<vmem>> -> memref<128xi32, #tpu.memory_space<vmem>>
    %dma_start3A_495 = arith.constant 0 : i32
    %dma_start3A_496 = arith.constant 0 : i32
    %dma_start3A_497 = tpu.memref_slice %arg2[%dma_start3A_495, %dma_start3A_496] : memref<100000x128xf32, #tpu.memory_space<hbm>> -> memref<100000x128xf32, #tpu.memory_space<hbm>>
    tpu.enqueue_indirect_dma source(%dma_start3A_497 : memref<100000x128xf32, #tpu.memory_space<hbm>>) target(%dma_start3A_493 : memref<128x128xf32, #tpu.memory_space<vmem>>) offsets(%dma_start3A_494 : memref<128xi32, #tpu.memory_space<vmem>>) semaphore(%arg13 : memref<!tpu.dma_semaphore, #tpu.memory_space<semaphore_mem>>)
    %multiple_of3A_498 = arith.constant 5632 : i32
    %multiple_of3A_499 = tpu.assume_multiple %multiple_of3A_498, 128 : i32
    %dma_wait3A_500 = arith.constant 2 : i32
    %dma_wait3A_501 = arith.constant 0 : i32
    %dma_wait3A_502 = arith.constant 0 : i32
    %dma_wait3A_503 = tpu.memref_slice %arg6[%dma_wait3A_500, %dma_wait3A_501, %dma_wait3A_502] : memref<7x128x128xf32, #tpu.memory_space<vmem>> -> memref<1x128x128xf32, #tpu.memory_space<vmem>>
    %dma_wait3A_504 = tpu.memref_squeeze %dma_wait3A_503 : memref<1x128x128xf32, #tpu.memory_space<vmem>> -> memref<128x128xf32, #tpu.memory_space<vmem>>
    %dma_wait3A_505 = tpu.memref_slice %arg5[%multiple_of3A_499] : memref<6400xi32, #tpu.memory_space<vmem>> -> memref<128xi32, #tpu.memory_space<vmem>>
    %dma_wait3A_506 = arith.constant 0 : i32
    %dma_wait3A_507 = arith.constant 0 : i32
    %dma_wait3A_508 = tpu.memref_slice %arg2[%dma_wait3A_506, %dma_wait3A_507] : memref<100000x128xf32, #tpu.memory_space<hbm>> -> memref<100000x128xf32, #tpu.memory_space<hbm>>
    tpu.wait_indirect_dma semaphore(%arg9 : memref<!tpu.dma_semaphore, #tpu.memory_space<semaphore_mem>>) src(%dma_wait3A_508 : memref<100000x128xf32, #tpu.memory_space<hbm>>) dst(%dma_wait3A_504 : memref<128x128xf32, #tpu.memory_space<vmem>>)
    %add3A_509 = arith.constant 5632 : i32
    %add3A_510 = arith.addi %mul3A_2, %add3A_509 : i32
    %dma_start3A_511 = arith.constant 2 : i32
    %dma_start3A_512 = arith.constant 0 : i32
    %dma_start3A_513 = arith.constant 0 : i32
    %dma_start3A_514 = tpu.memref_slice %arg6[%dma_start3A_511, %dma_start3A_512, %dma_start3A_513] : memref<7x128x128xf32, #tpu.memory_space<vmem>> -> memref<1x128x128xf32, #tpu.memory_space<vmem>>
    %dma_start3A_515 = tpu.memref_squeeze %dma_start3A_514 : memref<1x128x128xf32, #tpu.memory_space<vmem>> -> memref<128x128xf32, #tpu.memory_space<vmem>>
    %dma_start3A_516 = arith.constant 0 : i32
    %dma_start3A_517 = tpu.memref_slice %arg4[%add3A_510, %dma_start3A_516] : memref<204800x128xf32, #tpu.memory_space<hbm>> -> memref<128x128xf32, #tpu.memory_space<hbm>>
    %dma_start3A_518 = arith.constant 0 : i32
    %dma_start3A_519 = tpu.memref_slice %arg4[%add3A_510, %dma_start3A_518] : memref<204800x128xf32, #tpu.memory_space<hbm>> -> memref<128x128xf32, #tpu.memory_space<hbm>>
    %dma_start3A_520 = arith.constant 0 : i32
    %dma_start3A_521 = arith.constant 0 : i32
    %dma_start3A_522 = tpu.memref_slice %arg6[%dma_start3A_511, %dma_start3A_520, %dma_start3A_521] : memref<7x128x128xf32, #tpu.memory_space<vmem>> -> memref<1x128x128xf32, #tpu.memory_space<vmem>>
    %dma_start3A_523 = tpu.memref_squeeze %dma_start3A_522 : memref<1x128x128xf32, #tpu.memory_space<vmem>> -> memref<128x128xf32, #tpu.memory_space<vmem>>
    tpu.enqueue_dma source(%dma_start3A_523 : memref<128x128xf32, #tpu.memory_space<vmem>>) target(%dma_start3A_519 : memref<128x128xf32, #tpu.memory_space<hbm>>) target_semaphore(%arg16 : memref<!tpu.dma_semaphore, #tpu.memory_space<semaphore_mem>>)
    %add3A_524 = arith.constant 5376 : i32
    %add3A_525 = arith.addi %mul3A_2, %add3A_524 : i32
    %dma_wait3A_526 = arith.constant 0 : i32
    %dma_wait3A_527 = arith.constant 0 : i32
    %dma_wait3A_528 = arith.constant 0 : i32
    %dma_wait3A_529 = tpu.memref_slice %arg6[%dma_wait3A_526, %dma_wait3A_527, %dma_wait3A_528] : memref<7x128x128xf32, #tpu.memory_space<vmem>> -> memref<1x128x128xf32, #tpu.memory_space<vmem>>
    %dma_wait3A_530 = tpu.memref_squeeze %dma_wait3A_529 : memref<1x128x128xf32, #tpu.memory_space<vmem>> -> memref<128x128xf32, #tpu.memory_space<vmem>>
    %dma_wait3A_531 = arith.constant 0 : i32
    %dma_wait3A_532 = tpu.memref_slice %arg4[%add3A_525, %dma_wait3A_531] : memref<204800x128xf32, #tpu.memory_space<hbm>> -> memref<128x128xf32, #tpu.memory_space<hbm>>
    %dma_wait3A_533 = arith.constant 0 : i32
    %dma_wait3A_534 = tpu.memref_slice %arg4[%add3A_525, %dma_wait3A_533] : memref<204800x128xf32, #tpu.memory_space<hbm>> -> memref<128x128xf32, #tpu.memory_space<hbm>>
    %dma_wait3A_535 = arith.constant 0 : i32
    %dma_wait3A_536 = arith.constant 0 : i32
    %dma_wait3A_537 = tpu.memref_slice %arg6[%dma_wait3A_526, %dma_wait3A_535, %dma_wait3A_536] : memref<7x128x128xf32, #tpu.memory_space<vmem>> -> memref<1x128x128xf32, #tpu.memory_space<vmem>>
    %dma_wait3A_538 = tpu.memref_squeeze %dma_wait3A_537 : memref<1x128x128xf32, #tpu.memory_space<vmem>> -> memref<128x128xf32, #tpu.memory_space<vmem>>
    tpu.wait_dma2 semaphore(%arg14 : memref<!tpu.dma_semaphore, #tpu.memory_space<semaphore_mem>>) src(%dma_wait3A_538 : memref<128x128xf32, #tpu.memory_space<vmem>>) dst(%dma_wait3A_534 : memref<128x128xf32, #tpu.memory_space<hbm>>)
    %multiple_of3A_539 = arith.constant 6272 : i32
    %multiple_of3A_540 = tpu.assume_multiple %multiple_of3A_539, 128 : i32
    %dma_start3A_541 = arith.constant 0 : i32
    %dma_start3A_542 = arith.constant 0 : i32
    %dma_start3A_543 = arith.constant 0 : i32
    %dma_start3A_544 = tpu.memref_slice %arg6[%dma_start3A_541, %dma_start3A_542, %dma_start3A_543] : memref<7x128x128xf32, #tpu.memory_space<vmem>> -> memref<1x128x128xf32, #tpu.memory_space<vmem>>
    %dma_start3A_545 = tpu.memref_squeeze %dma_start3A_544 : memref<1x128x128xf32, #tpu.memory_space<vmem>> -> memref<128x128xf32, #tpu.memory_space<vmem>>
    %dma_start3A_546 = tpu.memref_slice %arg5[%multiple_of3A_540] : memref<6400xi32, #tpu.memory_space<vmem>> -> memref<128xi32, #tpu.memory_space<vmem>>
    %dma_start3A_547 = arith.constant 0 : i32
    %dma_start3A_548 = arith.constant 0 : i32
    %dma_start3A_549 = tpu.memref_slice %arg2[%dma_start3A_547, %dma_start3A_548] : memref<100000x128xf32, #tpu.memory_space<hbm>> -> memref<100000x128xf32, #tpu.memory_space<hbm>>
    tpu.enqueue_indirect_dma source(%dma_start3A_549 : memref<100000x128xf32, #tpu.memory_space<hbm>>) target(%dma_start3A_545 : memref<128x128xf32, #tpu.memory_space<vmem>>) offsets(%dma_start3A_546 : memref<128xi32, #tpu.memory_space<vmem>>) semaphore(%arg7 : memref<!tpu.dma_semaphore, #tpu.memory_space<semaphore_mem>>)
    %multiple_of3A_550 = arith.constant 5760 : i32
    %multiple_of3A_551 = tpu.assume_multiple %multiple_of3A_550, 128 : i32
    %dma_wait3A_552 = arith.constant 3 : i32
    %dma_wait3A_553 = arith.constant 0 : i32
    %dma_wait3A_554 = arith.constant 0 : i32
    %dma_wait3A_555 = tpu.memref_slice %arg6[%dma_wait3A_552, %dma_wait3A_553, %dma_wait3A_554] : memref<7x128x128xf32, #tpu.memory_space<vmem>> -> memref<1x128x128xf32, #tpu.memory_space<vmem>>
    %dma_wait3A_556 = tpu.memref_squeeze %dma_wait3A_555 : memref<1x128x128xf32, #tpu.memory_space<vmem>> -> memref<128x128xf32, #tpu.memory_space<vmem>>
    %dma_wait3A_557 = tpu.memref_slice %arg5[%multiple_of3A_551] : memref<6400xi32, #tpu.memory_space<vmem>> -> memref<128xi32, #tpu.memory_space<vmem>>
    %dma_wait3A_558 = arith.constant 0 : i32
    %dma_wait3A_559 = arith.constant 0 : i32
    %dma_wait3A_560 = tpu.memref_slice %arg2[%dma_wait3A_558, %dma_wait3A_559] : memref<100000x128xf32, #tpu.memory_space<hbm>> -> memref<100000x128xf32, #tpu.memory_space<hbm>>
    tpu.wait_indirect_dma semaphore(%arg10 : memref<!tpu.dma_semaphore, #tpu.memory_space<semaphore_mem>>) src(%dma_wait3A_560 : memref<100000x128xf32, #tpu.memory_space<hbm>>) dst(%dma_wait3A_556 : memref<128x128xf32, #tpu.memory_space<vmem>>)
    %add3A_561 = arith.constant 5760 : i32
    %add3A_562 = arith.addi %mul3A_2, %add3A_561 : i32
    %dma_start3A_563 = arith.constant 3 : i32
    %dma_start3A_564 = arith.constant 0 : i32
    %dma_start3A_565 = arith.constant 0 : i32
    %dma_start3A_566 = tpu.memref_slice %arg6[%dma_start3A_563, %dma_start3A_564, %dma_start3A_565] : memref<7x128x128xf32, #tpu.memory_space<vmem>> -> memref<1x128x128xf32, #tpu.memory_space<vmem>>
    %dma_start3A_567 = tpu.memref_squeeze %dma_start3A_566 : memref<1x128x128xf32, #tpu.memory_space<vmem>> -> memref<128x128xf32, #tpu.memory_space<vmem>>
    %dma_start3A_568 = arith.constant 0 : i32
    %dma_start3A_569 = tpu.memref_slice %arg4[%add3A_562, %dma_start3A_568] : memref<204800x128xf32, #tpu.memory_space<hbm>> -> memref<128x128xf32, #tpu.memory_space<hbm>>
    %dma_start3A_570 = arith.constant 0 : i32
    %dma_start3A_571 = tpu.memref_slice %arg4[%add3A_562, %dma_start3A_570] : memref<204800x128xf32, #tpu.memory_space<hbm>> -> memref<128x128xf32, #tpu.memory_space<hbm>>
    %dma_start3A_572 = arith.constant 0 : i32
    %dma_start3A_573 = arith.constant 0 : i32
    %dma_start3A_574 = tpu.memref_slice %arg6[%dma_start3A_563, %dma_start3A_572, %dma_start3A_573] : memref<7x128x128xf32, #tpu.memory_space<vmem>> -> memref<1x128x128xf32, #tpu.memory_space<vmem>>
    %dma_start3A_575 = tpu.memref_squeeze %dma_start3A_574 : memref<1x128x128xf32, #tpu.memory_space<vmem>> -> memref<128x128xf32, #tpu.memory_space<vmem>>
    tpu.enqueue_dma source(%dma_start3A_575 : memref<128x128xf32, #tpu.memory_space<vmem>>) target(%dma_start3A_571 : memref<128x128xf32, #tpu.memory_space<hbm>>) target_semaphore(%arg17 : memref<!tpu.dma_semaphore, #tpu.memory_space<semaphore_mem>>)
    %add3A_576 = arith.constant 5504 : i32
    %add3A_577 = arith.addi %mul3A_2, %add3A_576 : i32
    %dma_wait3A_578 = arith.constant 1 : i32
    %dma_wait3A_579 = arith.constant 0 : i32
    %dma_wait3A_580 = arith.constant 0 : i32
    %dma_wait3A_581 = tpu.memref_slice %arg6[%dma_wait3A_578, %dma_wait3A_579, %dma_wait3A_580] : memref<7x128x128xf32, #tpu.memory_space<vmem>> -> memref<1x128x128xf32, #tpu.memory_space<vmem>>
    %dma_wait3A_582 = tpu.memref_squeeze %dma_wait3A_581 : memref<1x128x128xf32, #tpu.memory_space<vmem>> -> memref<128x128xf32, #tpu.memory_space<vmem>>
    %dma_wait3A_583 = arith.constant 0 : i32
    %dma_wait3A_584 = tpu.memref_slice %arg4[%add3A_577, %dma_wait3A_583] : memref<204800x128xf32, #tpu.memory_space<hbm>> -> memref<128x128xf32, #tpu.memory_space<hbm>>
    %dma_wait3A_585 = arith.constant 0 : i32
    %dma_wait3A_586 = tpu.memref_slice %arg4[%add3A_577, %dma_wait3A_585] : memref<204800x128xf32, #tpu.memory_space<hbm>> -> memref<128x128xf32, #tpu.memory_space<hbm>>
    %dma_wait3A_587 = arith.constant 0 : i32
    %dma_wait3A_588 = arith.constant 0 : i32
    %dma_wait3A_589 = tpu.memref_slice %arg6[%dma_wait3A_578, %dma_wait3A_587, %dma_wait3A_588] : memref<7x128x128xf32, #tpu.memory_space<vmem>> -> memref<1x128x128xf32, #tpu.memory_space<vmem>>
    %dma_wait3A_590 = tpu.memref_squeeze %dma_wait3A_589 : memref<1x128x128xf32, #tpu.memory_space<vmem>> -> memref<128x128xf32, #tpu.memory_space<vmem>>
    tpu.wait_dma2 semaphore(%arg15 : memref<!tpu.dma_semaphore, #tpu.memory_space<semaphore_mem>>) src(%dma_wait3A_590 : memref<128x128xf32, #tpu.memory_space<vmem>>) dst(%dma_wait3A_586 : memref<128x128xf32, #tpu.memory_space<hbm>>)
    %multiple_of3A_591 = arith.constant 5888 : i32
    %multiple_of3A_592 = tpu.assume_multiple %multiple_of3A_591, 128 : i32
    %dma_wait3A_593 = arith.constant 4 : i32
    %dma_wait3A_594 = arith.constant 0 : i32
    %dma_wait3A_595 = arith.constant 0 : i32
    %dma_wait3A_596 = tpu.memref_slice %arg6[%dma_wait3A_593, %dma_wait3A_594, %dma_wait3A_595] : memref<7x128x128xf32, #tpu.memory_space<vmem>> -> memref<1x128x128xf32, #tpu.memory_space<vmem>>
    %dma_wait3A_597 = tpu.memref_squeeze %dma_wait3A_596 : memref<1x128x128xf32, #tpu.memory_space<vmem>> -> memref<128x128xf32, #tpu.memory_space<vmem>>
    %dma_wait3A_598 = tpu.memref_slice %arg5[%multiple_of3A_592] : memref<6400xi32, #tpu.memory_space<vmem>> -> memref<128xi32, #tpu.memory_space<vmem>>
    %dma_wait3A_599 = arith.constant 0 : i32
    %dma_wait3A_600 = arith.constant 0 : i32
    %dma_wait3A_601 = tpu.memref_slice %arg2[%dma_wait3A_599, %dma_wait3A_600] : memref<100000x128xf32, #tpu.memory_space<hbm>> -> memref<100000x128xf32, #tpu.memory_space<hbm>>
    tpu.wait_indirect_dma semaphore(%arg11 : memref<!tpu.dma_semaphore, #tpu.memory_space<semaphore_mem>>) src(%dma_wait3A_601 : memref<100000x128xf32, #tpu.memory_space<hbm>>) dst(%dma_wait3A_597 : memref<128x128xf32, #tpu.memory_space<vmem>>)
    %add3A_602 = arith.constant 5888 : i32
    %add3A_603 = arith.addi %mul3A_2, %add3A_602 : i32
    %dma_start3A_604 = arith.constant 4 : i32
    %dma_start3A_605 = arith.constant 0 : i32
    %dma_start3A_606 = arith.constant 0 : i32
    %dma_start3A_607 = tpu.memref_slice %arg6[%dma_start3A_604, %dma_start3A_605, %dma_start3A_606] : memref<7x128x128xf32, #tpu.memory_space<vmem>> -> memref<1x128x128xf32, #tpu.memory_space<vmem>>
    %dma_start3A_608 = tpu.memref_squeeze %dma_start3A_607 : memref<1x128x128xf32, #tpu.memory_space<vmem>> -> memref<128x128xf32, #tpu.memory_space<vmem>>
    %dma_start3A_609 = arith.constant 0 : i32
    %dma_start3A_610 = tpu.memref_slice %arg4[%add3A_603, %dma_start3A_609] : memref<204800x128xf32, #tpu.memory_space<hbm>> -> memref<128x128xf32, #tpu.memory_space<hbm>>
    %dma_start3A_611 = arith.constant 0 : i32
    %dma_start3A_612 = tpu.memref_slice %arg4[%add3A_603, %dma_start3A_611] : memref<204800x128xf32, #tpu.memory_space<hbm>> -> memref<128x128xf32, #tpu.memory_space<hbm>>
    %dma_start3A_613 = arith.constant 0 : i32
    %dma_start3A_614 = arith.constant 0 : i32
    %dma_start3A_615 = tpu.memref_slice %arg6[%dma_start3A_604, %dma_start3A_613, %dma_start3A_614] : memref<7x128x128xf32, #tpu.memory_space<vmem>> -> memref<1x128x128xf32, #tpu.memory_space<vmem>>
    %dma_start3A_616 = tpu.memref_squeeze %dma_start3A_615 : memref<1x128x128xf32, #tpu.memory_space<vmem>> -> memref<128x128xf32, #tpu.memory_space<vmem>>
    tpu.enqueue_dma source(%dma_start3A_616 : memref<128x128xf32, #tpu.memory_space<vmem>>) target(%dma_start3A_612 : memref<128x128xf32, #tpu.memory_space<hbm>>) target_semaphore(%arg18 : memref<!tpu.dma_semaphore, #tpu.memory_space<semaphore_mem>>)
    %add3A_617 = arith.constant 5632 : i32
    %add3A_618 = arith.addi %mul3A_2, %add3A_617 : i32
    %dma_wait3A_619 = arith.constant 2 : i32
    %dma_wait3A_620 = arith.constant 0 : i32
    %dma_wait3A_621 = arith.constant 0 : i32
    %dma_wait3A_622 = tpu.memref_slice %arg6[%dma_wait3A_619, %dma_wait3A_620, %dma_wait3A_621] : memref<7x128x128xf32, #tpu.memory_space<vmem>> -> memref<1x128x128xf32, #tpu.memory_space<vmem>>
    %dma_wait3A_623 = tpu.memref_squeeze %dma_wait3A_622 : memref<1x128x128xf32, #tpu.memory_space<vmem>> -> memref<128x128xf32, #tpu.memory_space<vmem>>
    %dma_wait3A_624 = arith.constant 0 : i32
    %dma_wait3A_625 = tpu.memref_slice %arg4[%add3A_618, %dma_wait3A_624] : memref<204800x128xf32, #tpu.memory_space<hbm>> -> memref<128x128xf32, #tpu.memory_space<hbm>>
    %dma_wait3A_626 = arith.constant 0 : i32
    %dma_wait3A_627 = tpu.memref_slice %arg4[%add3A_618, %dma_wait3A_626] : memref<204800x128xf32, #tpu.memory_space<hbm>> -> memref<128x128xf32, #tpu.memory_space<hbm>>
    %dma_wait3A_628 = arith.constant 0 : i32
    %dma_wait3A_629 = arith.constant 0 : i32
    %dma_wait3A_630 = tpu.memref_slice %arg6[%dma_wait3A_619, %dma_wait3A_628, %dma_wait3A_629] : memref<7x128x128xf32, #tpu.memory_space<vmem>> -> memref<1x128x128xf32, #tpu.memory_space<vmem>>
    %dma_wait3A_631 = tpu.memref_squeeze %dma_wait3A_630 : memref<1x128x128xf32, #tpu.memory_space<vmem>> -> memref<128x128xf32, #tpu.memory_space<vmem>>
    tpu.wait_dma2 semaphore(%arg16 : memref<!tpu.dma_semaphore, #tpu.memory_space<semaphore_mem>>) src(%dma_wait3A_631 : memref<128x128xf32, #tpu.memory_space<vmem>>) dst(%dma_wait3A_627 : memref<128x128xf32, #tpu.memory_space<hbm>>)
    %multiple_of3A_632 = arith.constant 6016 : i32
    %multiple_of3A_633 = tpu.assume_multiple %multiple_of3A_632, 128 : i32
    %dma_wait3A_634 = arith.constant 5 : i32
    %dma_wait3A_635 = arith.constant 0 : i32
    %dma_wait3A_636 = arith.constant 0 : i32
    %dma_wait3A_637 = tpu.memref_slice %arg6[%dma_wait3A_634, %dma_wait3A_635, %dma_wait3A_636] : memref<7x128x128xf32, #tpu.memory_space<vmem>> -> memref<1x128x128xf32, #tpu.memory_space<vmem>>
    %dma_wait3A_638 = tpu.memref_squeeze %dma_wait3A_637 : memref<1x128x128xf32, #tpu.memory_space<vmem>> -> memref<128x128xf32, #tpu.memory_space<vmem>>
    %dma_wait3A_639 = tpu.memref_slice %arg5[%multiple_of3A_633] : memref<6400xi32, #tpu.memory_space<vmem>> -> memref<128xi32, #tpu.memory_space<vmem>>
    %dma_wait3A_640 = arith.constant 0 : i32
    %dma_wait3A_641 = arith.constant 0 : i32
    %dma_wait3A_642 = tpu.memref_slice %arg2[%dma_wait3A_640, %dma_wait3A_641] : memref<100000x128xf32, #tpu.memory_space<hbm>> -> memref<100000x128xf32, #tpu.memory_space<hbm>>
    tpu.wait_indirect_dma semaphore(%arg12 : memref<!tpu.dma_semaphore, #tpu.memory_space<semaphore_mem>>) src(%dma_wait3A_642 : memref<100000x128xf32, #tpu.memory_space<hbm>>) dst(%dma_wait3A_638 : memref<128x128xf32, #tpu.memory_space<vmem>>)
    %add3A_643 = arith.constant 6016 : i32
    %add3A_644 = arith.addi %mul3A_2, %add3A_643 : i32
    %dma_start3A_645 = arith.constant 5 : i32
    %dma_start3A_646 = arith.constant 0 : i32
    %dma_start3A_647 = arith.constant 0 : i32
    %dma_start3A_648 = tpu.memref_slice %arg6[%dma_start3A_645, %dma_start3A_646, %dma_start3A_647] : memref<7x128x128xf32, #tpu.memory_space<vmem>> -> memref<1x128x128xf32, #tpu.memory_space<vmem>>
    %dma_start3A_649 = tpu.memref_squeeze %dma_start3A_648 : memref<1x128x128xf32, #tpu.memory_space<vmem>> -> memref<128x128xf32, #tpu.memory_space<vmem>>
    %dma_start3A_650 = arith.constant 0 : i32
    %dma_start3A_651 = tpu.memref_slice %arg4[%add3A_644, %dma_start3A_650] : memref<204800x128xf32, #tpu.memory_space<hbm>> -> memref<128x128xf32, #tpu.memory_space<hbm>>
    %dma_start3A_652 = arith.constant 0 : i32
    %dma_start3A_653 = tpu.memref_slice %arg4[%add3A_644, %dma_start3A_652] : memref<204800x128xf32, #tpu.memory_space<hbm>> -> memref<128x128xf32, #tpu.memory_space<hbm>>
    %dma_start3A_654 = arith.constant 0 : i32
    %dma_start3A_655 = arith.constant 0 : i32
    %dma_start3A_656 = tpu.memref_slice %arg6[%dma_start3A_645, %dma_start3A_654, %dma_start3A_655] : memref<7x128x128xf32, #tpu.memory_space<vmem>> -> memref<1x128x128xf32, #tpu.memory_space<vmem>>
    %dma_start3A_657 = tpu.memref_squeeze %dma_start3A_656 : memref<1x128x128xf32, #tpu.memory_space<vmem>> -> memref<128x128xf32, #tpu.memory_space<vmem>>
    tpu.enqueue_dma source(%dma_start3A_657 : memref<128x128xf32, #tpu.memory_space<vmem>>) target(%dma_start3A_653 : memref<128x128xf32, #tpu.memory_space<hbm>>) target_semaphore(%arg19 : memref<!tpu.dma_semaphore, #tpu.memory_space<semaphore_mem>>)
    %add3A_658 = arith.constant 5760 : i32
    %add3A_659 = arith.addi %mul3A_2, %add3A_658 : i32
    %dma_wait3A_660 = arith.constant 3 : i32
    %dma_wait3A_661 = arith.constant 0 : i32
    %dma_wait3A_662 = arith.constant 0 : i32
    %dma_wait3A_663 = tpu.memref_slice %arg6[%dma_wait3A_660, %dma_wait3A_661, %dma_wait3A_662] : memref<7x128x128xf32, #tpu.memory_space<vmem>> -> memref<1x128x128xf32, #tpu.memory_space<vmem>>
    %dma_wait3A_664 = tpu.memref_squeeze %dma_wait3A_663 : memref<1x128x128xf32, #tpu.memory_space<vmem>> -> memref<128x128xf32, #tpu.memory_space<vmem>>
    %dma_wait3A_665 = arith.constant 0 : i32
    %dma_wait3A_666 = tpu.memref_slice %arg4[%add3A_659, %dma_wait3A_665] : memref<204800x128xf32, #tpu.memory_space<hbm>> -> memref<128x128xf32, #tpu.memory_space<hbm>>
    %dma_wait3A_667 = arith.constant 0 : i32
    %dma_wait3A_668 = tpu.memref_slice %arg4[%add3A_659, %dma_wait3A_667] : memref<204800x128xf32, #tpu.memory_space<hbm>> -> memref<128x128xf32, #tpu.memory_space<hbm>>
    %dma_wait3A_669 = arith.constant 0 : i32
    %dma_wait3A_670 = arith.constant 0 : i32
    %dma_wait3A_671 = tpu.memref_slice %arg6[%dma_wait3A_660, %dma_wait3A_669, %dma_wait3A_670] : memref<7x128x128xf32, #tpu.memory_space<vmem>> -> memref<1x128x128xf32, #tpu.memory_space<vmem>>
    %dma_wait3A_672 = tpu.memref_squeeze %dma_wait3A_671 : memref<1x128x128xf32, #tpu.memory_space<vmem>> -> memref<128x128xf32, #tpu.memory_space<vmem>>
    tpu.wait_dma2 semaphore(%arg17 : memref<!tpu.dma_semaphore, #tpu.memory_space<semaphore_mem>>) src(%dma_wait3A_672 : memref<128x128xf32, #tpu.memory_space<vmem>>) dst(%dma_wait3A_668 : memref<128x128xf32, #tpu.memory_space<hbm>>)
    %multiple_of3A_673 = arith.constant 6144 : i32
    %multiple_of3A_674 = tpu.assume_multiple %multiple_of3A_673, 128 : i32
    %dma_wait3A_675 = arith.constant 6 : i32
    %dma_wait3A_676 = arith.constant 0 : i32
    %dma_wait3A_677 = arith.constant 0 : i32
    %dma_wait3A_678 = tpu.memref_slice %arg6[%dma_wait3A_675, %dma_wait3A_676, %dma_wait3A_677] : memref<7x128x128xf32, #tpu.memory_space<vmem>> -> memref<1x128x128xf32, #tpu.memory_space<vmem>>
    %dma_wait3A_679 = tpu.memref_squeeze %dma_wait3A_678 : memref<1x128x128xf32, #tpu.memory_space<vmem>> -> memref<128x128xf32, #tpu.memory_space<vmem>>
    %dma_wait3A_680 = tpu.memref_slice %arg5[%multiple_of3A_674] : memref<6400xi32, #tpu.memory_space<vmem>> -> memref<128xi32, #tpu.memory_space<vmem>>
    %dma_wait3A_681 = arith.constant 0 : i32
    %dma_wait3A_682 = arith.constant 0 : i32
    %dma_wait3A_683 = tpu.memref_slice %arg2[%dma_wait3A_681, %dma_wait3A_682] : memref<100000x128xf32, #tpu.memory_space<hbm>> -> memref<100000x128xf32, #tpu.memory_space<hbm>>
    tpu.wait_indirect_dma semaphore(%arg13 : memref<!tpu.dma_semaphore, #tpu.memory_space<semaphore_mem>>) src(%dma_wait3A_683 : memref<100000x128xf32, #tpu.memory_space<hbm>>) dst(%dma_wait3A_679 : memref<128x128xf32, #tpu.memory_space<vmem>>)
    %add3A_684 = arith.constant 6144 : i32
    %add3A_685 = arith.addi %mul3A_2, %add3A_684 : i32
    %dma_start3A_686 = arith.constant 6 : i32
    %dma_start3A_687 = arith.constant 0 : i32
    %dma_start3A_688 = arith.constant 0 : i32
    %dma_start3A_689 = tpu.memref_slice %arg6[%dma_start3A_686, %dma_start3A_687, %dma_start3A_688] : memref<7x128x128xf32, #tpu.memory_space<vmem>> -> memref<1x128x128xf32, #tpu.memory_space<vmem>>
    %dma_start3A_690 = tpu.memref_squeeze %dma_start3A_689 : memref<1x128x128xf32, #tpu.memory_space<vmem>> -> memref<128x128xf32, #tpu.memory_space<vmem>>
    %dma_start3A_691 = arith.constant 0 : i32
    %dma_start3A_692 = tpu.memref_slice %arg4[%add3A_685, %dma_start3A_691] : memref<204800x128xf32, #tpu.memory_space<hbm>> -> memref<128x128xf32, #tpu.memory_space<hbm>>
    %dma_start3A_693 = arith.constant 0 : i32
    %dma_start3A_694 = tpu.memref_slice %arg4[%add3A_685, %dma_start3A_693] : memref<204800x128xf32, #tpu.memory_space<hbm>> -> memref<128x128xf32, #tpu.memory_space<hbm>>
    %dma_start3A_695 = arith.constant 0 : i32
    %dma_start3A_696 = arith.constant 0 : i32
    %dma_start3A_697 = tpu.memref_slice %arg6[%dma_start3A_686, %dma_start3A_695, %dma_start3A_696] : memref<7x128x128xf32, #tpu.memory_space<vmem>> -> memref<1x128x128xf32, #tpu.memory_space<vmem>>
    %dma_start3A_698 = tpu.memref_squeeze %dma_start3A_697 : memref<1x128x128xf32, #tpu.memory_space<vmem>> -> memref<128x128xf32, #tpu.memory_space<vmem>>
    tpu.enqueue_dma source(%dma_start3A_698 : memref<128x128xf32, #tpu.memory_space<vmem>>) target(%dma_start3A_694 : memref<128x128xf32, #tpu.memory_space<hbm>>) target_semaphore(%arg20 : memref<!tpu.dma_semaphore, #tpu.memory_space<semaphore_mem>>)
    %add3A_699 = arith.constant 5888 : i32
    %add3A_700 = arith.addi %mul3A_2, %add3A_699 : i32
    %dma_wait3A_701 = arith.constant 4 : i32
    %dma_wait3A_702 = arith.constant 0 : i32
    %dma_wait3A_703 = arith.constant 0 : i32
    %dma_wait3A_704 = tpu.memref_slice %arg6[%dma_wait3A_701, %dma_wait3A_702, %dma_wait3A_703] : memref<7x128x128xf32, #tpu.memory_space<vmem>> -> memref<1x128x128xf32, #tpu.memory_space<vmem>>
    %dma_wait3A_705 = tpu.memref_squeeze %dma_wait3A_704 : memref<1x128x128xf32, #tpu.memory_space<vmem>> -> memref<128x128xf32, #tpu.memory_space<vmem>>
    %dma_wait3A_706 = arith.constant 0 : i32
    %dma_wait3A_707 = tpu.memref_slice %arg4[%add3A_700, %dma_wait3A_706] : memref<204800x128xf32, #tpu.memory_space<hbm>> -> memref<128x128xf32, #tpu.memory_space<hbm>>
    %dma_wait3A_708 = arith.constant 0 : i32
    %dma_wait3A_709 = tpu.memref_slice %arg4[%add3A_700, %dma_wait3A_708] : memref<204800x128xf32, #tpu.memory_space<hbm>> -> memref<128x128xf32, #tpu.memory_space<hbm>>
    %dma_wait3A_710 = arith.constant 0 : i32
    %dma_wait3A_711 = arith.constant 0 : i32
    %dma_wait3A_712 = tpu.memref_slice %arg6[%dma_wait3A_701, %dma_wait3A_710, %dma_wait3A_711] : memref<7x128x128xf32, #tpu.memory_space<vmem>> -> memref<1x128x128xf32, #tpu.memory_space<vmem>>
    %dma_wait3A_713 = tpu.memref_squeeze %dma_wait3A_712 : memref<1x128x128xf32, #tpu.memory_space<vmem>> -> memref<128x128xf32, #tpu.memory_space<vmem>>
    tpu.wait_dma2 semaphore(%arg18 : memref<!tpu.dma_semaphore, #tpu.memory_space<semaphore_mem>>) src(%dma_wait3A_713 : memref<128x128xf32, #tpu.memory_space<vmem>>) dst(%dma_wait3A_709 : memref<128x128xf32, #tpu.memory_space<hbm>>)
    %multiple_of3A_714 = arith.constant 6272 : i32
    %multiple_of3A_715 = tpu.assume_multiple %multiple_of3A_714, 128 : i32
    %dma_wait3A_716 = arith.constant 0 : i32
    %dma_wait3A_717 = arith.constant 0 : i32
    %dma_wait3A_718 = arith.constant 0 : i32
    %dma_wait3A_719 = tpu.memref_slice %arg6[%dma_wait3A_716, %dma_wait3A_717, %dma_wait3A_718] : memref<7x128x128xf32, #tpu.memory_space<vmem>> -> memref<1x128x128xf32, #tpu.memory_space<vmem>>
    %dma_wait3A_720 = tpu.memref_squeeze %dma_wait3A_719 : memref<1x128x128xf32, #tpu.memory_space<vmem>> -> memref<128x128xf32, #tpu.memory_space<vmem>>
    %dma_wait3A_721 = tpu.memref_slice %arg5[%multiple_of3A_715] : memref<6400xi32, #tpu.memory_space<vmem>> -> memref<128xi32, #tpu.memory_space<vmem>>
    %dma_wait3A_722 = arith.constant 0 : i32
    %dma_wait3A_723 = arith.constant 0 : i32
    %dma_wait3A_724 = tpu.memref_slice %arg2[%dma_wait3A_722, %dma_wait3A_723] : memref<100000x128xf32, #tpu.memory_space<hbm>> -> memref<100000x128xf32, #tpu.memory_space<hbm>>
    tpu.wait_indirect_dma semaphore(%arg7 : memref<!tpu.dma_semaphore, #tpu.memory_space<semaphore_mem>>) src(%dma_wait3A_724 : memref<100000x128xf32, #tpu.memory_space<hbm>>) dst(%dma_wait3A_720 : memref<128x128xf32, #tpu.memory_space<vmem>>)
    %add3A_725 = arith.constant 6272 : i32
    %add3A_726 = arith.addi %mul3A_2, %add3A_725 : i32
    %dma_start3A_727 = arith.constant 0 : i32
    %dma_start3A_728 = arith.constant 0 : i32
    %dma_start3A_729 = arith.constant 0 : i32
    %dma_start3A_730 = tpu.memref_slice %arg6[%dma_start3A_727, %dma_start3A_728, %dma_start3A_729] : memref<7x128x128xf32, #tpu.memory_space<vmem>> -> memref<1x128x128xf32, #tpu.memory_space<vmem>>
    %dma_start3A_731 = tpu.memref_squeeze %dma_start3A_730 : memref<1x128x128xf32, #tpu.memory_space<vmem>> -> memref<128x128xf32, #tpu.memory_space<vmem>>
    %dma_start3A_732 = arith.constant 0 : i32
    %dma_start3A_733 = tpu.memref_slice %arg4[%add3A_726, %dma_start3A_732] : memref<204800x128xf32, #tpu.memory_space<hbm>> -> memref<128x128xf32, #tpu.memory_space<hbm>>
    %dma_start3A_734 = arith.constant 0 : i32
    %dma_start3A_735 = tpu.memref_slice %arg4[%add3A_726, %dma_start3A_734] : memref<204800x128xf32, #tpu.memory_space<hbm>> -> memref<128x128xf32, #tpu.memory_space<hbm>>
    %dma_start3A_736 = arith.constant 0 : i32
    %dma_start3A_737 = arith.constant 0 : i32
    %dma_start3A_738 = tpu.memref_slice %arg6[%dma_start3A_727, %dma_start3A_736, %dma_start3A_737] : memref<7x128x128xf32, #tpu.memory_space<vmem>> -> memref<1x128x128xf32, #tpu.memory_space<vmem>>
    %dma_start3A_739 = tpu.memref_squeeze %dma_start3A_738 : memref<1x128x128xf32, #tpu.memory_space<vmem>> -> memref<128x128xf32, #tpu.memory_space<vmem>>
    tpu.enqueue_dma source(%dma_start3A_739 : memref<128x128xf32, #tpu.memory_space<vmem>>) target(%dma_start3A_735 : memref<128x128xf32, #tpu.memory_space<hbm>>) target_semaphore(%arg14 : memref<!tpu.dma_semaphore, #tpu.memory_space<semaphore_mem>>)
    %add3A_740 = arith.constant 6016 : i32
    %add3A_741 = arith.addi %mul3A_2, %add3A_740 : i32
    %dma_wait3A_742 = arith.constant 5 : i32
    %dma_wait3A_743 = arith.constant 0 : i32
    %dma_wait3A_744 = arith.constant 0 : i32
    %dma_wait3A_745 = tpu.memref_slice %arg6[%dma_wait3A_742, %dma_wait3A_743, %dma_wait3A_744] : memref<7x128x128xf32, #tpu.memory_space<vmem>> -> memref<1x128x128xf32, #tpu.memory_space<vmem>>
    %dma_wait3A_746 = tpu.memref_squeeze %dma_wait3A_745 : memref<1x128x128xf32, #tpu.memory_space<vmem>> -> memref<128x128xf32, #tpu.memory_space<vmem>>
    %dma_wait3A_747 = arith.constant 0 : i32
    %dma_wait3A_748 = tpu.memref_slice %arg4[%add3A_741, %dma_wait3A_747] : memref<204800x128xf32, #tpu.memory_space<hbm>> -> memref<128x128xf32, #tpu.memory_space<hbm>>
    %dma_wait3A_749 = arith.constant 0 : i32
    %dma_wait3A_750 = tpu.memref_slice %arg4[%add3A_741, %dma_wait3A_749] : memref<204800x128xf32, #tpu.memory_space<hbm>> -> memref<128x128xf32, #tpu.memory_space<hbm>>
    %dma_wait3A_751 = arith.constant 0 : i32
    %dma_wait3A_752 = arith.constant 0 : i32
    %dma_wait3A_753 = tpu.memref_slice %arg6[%dma_wait3A_742, %dma_wait3A_751, %dma_wait3A_752] : memref<7x128x128xf32, #tpu.memory_space<vmem>> -> memref<1x128x128xf32, #tpu.memory_space<vmem>>
    %dma_wait3A_754 = tpu.memref_squeeze %dma_wait3A_753 : memref<1x128x128xf32, #tpu.memory_space<vmem>> -> memref<128x128xf32, #tpu.memory_space<vmem>>
    tpu.wait_dma2 semaphore(%arg19 : memref<!tpu.dma_semaphore, #tpu.memory_space<semaphore_mem>>) src(%dma_wait3A_754 : memref<128x128xf32, #tpu.memory_space<vmem>>) dst(%dma_wait3A_750 : memref<128x128xf32, #tpu.memory_space<hbm>>)
    %add3A_755 = arith.constant 6144 : i32
    %add3A_756 = arith.addi %mul3A_2, %add3A_755 : i32
    %dma_wait3A_757 = arith.constant 6 : i32
    %dma_wait3A_758 = arith.constant 0 : i32
    %dma_wait3A_759 = arith.constant 0 : i32
    %dma_wait3A_760 = tpu.memref_slice %arg6[%dma_wait3A_757, %dma_wait3A_758, %dma_wait3A_759] : memref<7x128x128xf32, #tpu.memory_space<vmem>> -> memref<1x128x128xf32, #tpu.memory_space<vmem>>
    %dma_wait3A_761 = tpu.memref_squeeze %dma_wait3A_760 : memref<1x128x128xf32, #tpu.memory_space<vmem>> -> memref<128x128xf32, #tpu.memory_space<vmem>>
    %dma_wait3A_762 = arith.constant 0 : i32
    %dma_wait3A_763 = tpu.memref_slice %arg4[%add3A_756, %dma_wait3A_762] : memref<204800x128xf32, #tpu.memory_space<hbm>> -> memref<128x128xf32, #tpu.memory_space<hbm>>
    %dma_wait3A_764 = arith.constant 0 : i32
    %dma_wait3A_765 = tpu.memref_slice %arg4[%add3A_756, %dma_wait3A_764] : memref<204800x128xf32, #tpu.memory_space<hbm>> -> memref<128x128xf32, #tpu.memory_space<hbm>>
    %dma_wait3A_766 = arith.constant 0 : i32
    %dma_wait3A_767 = arith.constant 0 : i32
    %dma_wait3A_768 = tpu.memref_slice %arg6[%dma_wait3A_757, %dma_wait3A_766, %dma_wait3A_767] : memref<7x128x128xf32, #tpu.memory_space<vmem>> -> memref<1x128x128xf32, #tpu.memory_space<vmem>>
    %dma_wait3A_769 = tpu.memref_squeeze %dma_wait3A_768 : memref<1x128x128xf32, #tpu.memory_space<vmem>> -> memref<128x128xf32, #tpu.memory_space<vmem>>
    tpu.wait_dma2 semaphore(%arg20 : memref<!tpu.dma_semaphore, #tpu.memory_space<semaphore_mem>>) src(%dma_wait3A_769 : memref<128x128xf32, #tpu.memory_space<vmem>>) dst(%dma_wait3A_765 : memref<128x128xf32, #tpu.memory_space<hbm>>)
    %add3A_770 = arith.constant 6272 : i32
    %add3A_771 = arith.addi %mul3A_2, %add3A_770 : i32
    %dma_wait3A_772 = arith.constant 0 : i32
    %dma_wait3A_773 = arith.constant 0 : i32
    %dma_wait3A_774 = arith.constant 0 : i32
    %dma_wait3A_775 = tpu.memref_slice %arg6[%dma_wait3A_772, %dma_wait3A_773, %dma_wait3A_774] : memref<7x128x128xf32, #tpu.memory_space<vmem>> -> memref<1x128x128xf32, #tpu.memory_space<vmem>>
    %dma_wait3A_776 = tpu.memref_squeeze %dma_wait3A_775 : memref<1x128x128xf32, #tpu.memory_space<vmem>> -> memref<128x128xf32, #tpu.memory_space<vmem>>
    %dma_wait3A_777 = arith.constant 0 : i32
    %dma_wait3A_778 = tpu.memref_slice %arg4[%add3A_771, %dma_wait3A_777] : memref<204800x128xf32, #tpu.memory_space<hbm>> -> memref<128x128xf32, #tpu.memory_space<hbm>>
    %dma_wait3A_779 = arith.constant 0 : i32
    %dma_wait3A_780 = tpu.memref_slice %arg4[%add3A_771, %dma_wait3A_779] : memref<204800x128xf32, #tpu.memory_space<hbm>> -> memref<128x128xf32, #tpu.memory_space<hbm>>
    %dma_wait3A_781 = arith.constant 0 : i32
    %dma_wait3A_782 = arith.constant 0 : i32
    %dma_wait3A_783 = tpu.memref_slice %arg6[%dma_wait3A_772, %dma_wait3A_781, %dma_wait3A_782] : memref<7x128x128xf32, #tpu.memory_space<vmem>> -> memref<1x128x128xf32, #tpu.memory_space<vmem>>
    %dma_wait3A_784 = tpu.memref_squeeze %dma_wait3A_783 : memref<1x128x128xf32, #tpu.memory_space<vmem>> -> memref<128x128xf32, #tpu.memory_space<vmem>>
    tpu.wait_dma2 semaphore(%arg14 : memref<!tpu.dma_semaphore, #tpu.memory_space<semaphore_mem>>) src(%dma_wait3A_784 : memref<128x128xf32, #tpu.memory_space<vmem>>) dst(%dma_wait3A_780 : memref<128x128xf32, #tpu.memory_space<hbm>>)
    return
  }
}

</mosaic_0001>

<sc_bundles>
// kernel: kernel.3.cloned.1.call-start
scs
__scs_entry_jumppad:
0x0: {  	(pc) =	sbr.rel $0x88, $3  }
0x1: {  	(tag) =	ssettag $0x0;
	lr =	simm.s32 $0x1  }
0x2: {  	[smem:$0x3F9F] =	sst lr;
	_ =	strace $0xD0000000  }
0x3: {  	_ = 	snop  }
0x4: {  	_ = 	snop  }
0x5: {  	_ = 	snop  }
0x6: {  	_ = 	snop  }
0x7: {  	_ = 	snop  }
__scs_overlays_trampoline_lowered:
0x8: {  	[smem:$0x3FAE] =	sst s0  }
0x9: {  	[smem:$0x3FAF] =	sst s1  }
0xa: {  	[smem:$0x3FB0] =	sst s2  }
0xb: {  	[smem:$0x3FB1] =	sst s3  }
0xc: {  	[smem:$0x3FB2] =	sst s4  }
0xd: {  	[smem:$0x3FB3] =	sst s5  }
0xe: {  	[smem:$0x3FB4] =	sst s6  }
0xf: {  	[smem:$0x3FB5] =	sst s7  }
0x10: {  	[smem:$0x3FB6] =	sst s8  }
0x11: {  	[smem:$0x3FB7] =	sst s9;
	s0 =	simm.s32 @!p0 $0x0  }
0x12: {  	s1 =	sld [smem:$0x3F9D];
	s0 =	simm.s32 @p0 $0x1  }
0x13: {  	[smem:$0x3FB8] =	sst s0;
	s0 =	simm.s32 @!p1 $0x0  }
0x14: {  	s2 =	sld [smem:$0x3F9C];
	s0 =	simm.s32 @p1 $0x1  }
0x15: {  	[smem:$0x3FB9] =	sst s0;
	s0 =	simm.s32 @!p2 $0x0  }
0x16: {  	s3 =	sld [smem:$0x3FDB];
	s0 =	simm.s32 @p2 $0x1  }
0x17: {  	s4 =	simm.s32 $0x1BF5;
	[smem:$0x3FBB] =	sst s0  }
0x18: {  	s0 =	sld [smem:$0x3F9E];
	_ =	swait.ge [sflag:s4], $0x0  }
0x19: {  	s7 =	sld [smem:$0x3F9F]  }
0x1a: {  	s8 =	sadd.s32 $0xFFFFE003, lr  }
0x1b: {  	s9 =	sadd.s32 $0xFFFFFEF7, lr;
	s5 =	simm.s32 $0xFFFFFFFF;
	p2 =	slt.u32 s8, $0xFFFFF086  }
0x1c: {  	p1 =	slt.u32 s9, $0xF7A;
	s5 =	simm.s32 @!p2 $0x0  }
0x1d: {  	s5 =	simm.s32 @p1 $0x1;
	p0 =	seq.s32 s7, s2  }
0x1e: {  	s7 =	smul.u32 @!p0 $0xF7A, s2;
	p2 =	seq.s32 @!p0 s5, $0x0  }
0x1f: {  	s9 =	smul.u32 $0xF7A, s1;
	s8 =	simm.s32 @!p0 $0x1BF5;
	p2 =	por !p2, p0  }
0x20: {  	[sflag:s8] =	ssyncset.s32 @!p0 $0xFFFFF086;
	s6 =	sadd.s32 @!p0 s3, s7;
	s7 =	simm.s32 @!p0 $0x108  }
0x21: {  	s3 =	sadd.s32 s3, s9;
	s6 =	sadd.s32 @!p0 $0x88, s6;
	s7 =	simm.s32 @p2 $0x1082  }
0x22: {  	[simem:s7], [sflag:s8] =	dma.local @!p0 [hbm:s6], $0xF7A  }
0x23: {  	s9 =	sor.u32 $0xD0000000, s2;
	s6 =	simm.s32 $0x108;
	_ =	swait.ge @!p0 [sflag:s8], $0x0  }
0x24: {  	s3 =	sadd.s32 $0x88, s3;
	s6 =	simm.s32 @!p1 $0x1082;
	[sflag:s4] =	ssyncset.s32 $0xFFFFF086  }
0x25: {  	[simem:s6], [sflag:s4] =	dma.local [hbm:s3], $0xF7A  }
0x26: {  	[smem:$0x3F9F] =	sst s1;
	(tag) =	ssettag s2;
	_ =	strace s9  }
0x27: {  	s1 =	sld [smem:$0x3FAF]  }
0x28: {  	s2 =	sld [smem:$0x3FB0]  }
0x29: {  	s4 =	sld [smem:$0x3FB2]  }
0x2a: {  	p0 =	seq.s32 s5, $0x0;
	s5 =	sld [smem:$0x3FB3]  }
0x2b: {  	s6 =	sld [smem:$0x3FB4]  }
0x2c: {  	s7 =	sld [smem:$0x3FB5]  }
0x2d: {  	s3 =	simm.s32 $0x108;
	s8 =	sld [smem:$0x3FB6]  }
0x2e: {  	s3 =	simm.s32 @!p0 $0x1082;
	s9 =	sld [smem:$0x3FB7]  }
0x2f: {  	lr =	sadd.s32 s0, s3;
	s0 =	sld [smem:$0x3FAE]  }
0x30: {  	s3 =	sld [smem:$0x3FB1]  }
0x31: {  	[smem:$0x3FBA] =	sst s10  }
0x32: {  	s10 =	sld [smem:$0x3FB8];
	_ =	sdelay $0x3  }
0x33: {  	p0 =	seq.s32 s10, $0x1;
	s10 =	sld [smem:$0x3FBA];
	_ =	sdelay $0x3  }
0x34: {  	[smem:$0x3FBA] =	sst s10  }
0x35: {  	s10 =	sld [smem:$0x3FB9];
	_ =	sdelay $0x3  }
0x36: {  	p1 =	seq.s32 s10, $0x1;
	s10 =	sld [smem:$0x3FBA];
	_ =	sdelay $0x3  }
0x37: {  	[smem:$0x3FBA] =	sst s10  }
0x38: {  	s10 =	sld [smem:$0x3FBB]  }
0x39: {  	_ = 	snop;
	(pc) =	sbr.ind lr, $3  }
0x3a: {  	_ = 	snop  }
0x3b: {  	_ = 	snop  }
0x3c: {  	p2 =	seq.s32 s10, $0x1;
	s10 =	sld [smem:$0x3FBA]  }
0x3d: {  	_ =	shalt  }
0x3e: {  	_ =	shalt  }
0x3f: {  	_ =	shalt  }
0x40: {  	_ =	shalt  }
0x41: {  	_ =	shalt  }
0x42: {  	_ =	shalt  }
0x43: {  	_ =	shalt  }
0x44: {  	_ =	shalt  }
0x45: {  	_ =	shalt  }
0x46: {  	_ =	shalt  }
0x47: {  	_ =	shalt  }
0x48: {  	_ =	shalt  }
0x49: {  	_ =	shalt  }
0x4a: {  	_ =	shalt  }
0x4b: {  	_ =	shalt  }
0x4c: {  	_ =	shalt  }
0x4d: {  	_ =	shalt  }
0x4e: {  	_ =	shalt  }
0x4f: {  	_ =	shalt  }
0x50: {  	_ =	shalt  }
0x51: {  	_ =	shalt  }
0x52: {  	_ =	shalt  }
0x53: {  	_ =	shalt  }
0x54: {  	_ =	shalt  }
0x55: {  	_ =	shalt  }
0x56: {  	_ =	shalt  }
0x57: {  	_ =	shalt  }
0x58: {  	_ =	shalt  }
0x59: {  	_ =	shalt  }
0x5a: {  	_ =	shalt  }
0x5b: {  	_ =	shalt  }
0x5c: {  	_ =	shalt  }
0x5d: {  	_ =	shalt  }
0x5e: {  	_ =	shalt  }
0x5f: {  	_ =	shalt  }
0x60: {  	_ =	shalt  }
0x61: {  	_ =	shalt  }
0x62: {  	_ =	shalt  }
0x63: {  	_ =	shalt  }
0x64: {  	_ =	shalt  }
0x65: {  	_ =	shalt  }
0x66: {  	_ =	shalt  }
0x67: {  	_ =	shalt  }
0x68: {  	_ =	shalt  }
0x69: {  	_ =	shalt  }
0x6a: {  	_ =	shalt  }
0x6b: {  	_ =	shalt  }
0x6c: {  	_ =	shalt  }
0x6d: {  	_ =	shalt  }
0x6e: {  	_ =	shalt  }
0x6f: {  	_ =	shalt  }
0x70: {  	_ =	shalt  }
0x71: {  	_ =	shalt  }
0x72: {  	_ =	shalt  }
0x73: {  	_ =	shalt  }
0x74: {  	_ =	shalt  }
0x75: {  	_ =	shalt  }
0x76: {  	_ =	shalt  }
0x77: {  	_ =	shalt  }
0x78: {  	_ =	shalt  }
0x79: {  	_ =	shalt  }
0x7a: {  	_ =	shalt  }
0x7b: {  	_ =	shalt  }
0x7c: {  	_ =	shalt  }
0x7d: {  	_ =	shalt  }
0x7e: {  	_ =	shalt  }
0x7f: {  	_ =	shalt  }
0x80: {  	_ =	shalt  }
0x81: {  	_ =	shalt  }
0x82: {  	_ =	shalt  }
0x83: {  	_ =	shalt  }
0x84: {  	_ =	shalt  }
0x85: {  	_ =	shalt  }
0x86: {  	_ =	shalt  }
0x87: {  	_ =	shalt  }
.Lfunc_end0:
.L_simem_size_0:
called_computation_lowered:
.L_overlay_start_0:
0x88: {  	s2 =	sld [smem:$0x3FD9]  }
0x89: {  	s3 =	sld [smem:$0x3FFE];
	_ =	sdelay $0x1  }
0x8a: {  	s1 =	srdreg.scid  }
0x8b: {  	s0 =	sand.u32 $0x1, s1  }
0x8c: {  	s17 =	sshll.u32 s0, $0xA;
	s2 =	sadd.s32 s3, s2  }
0x8d: {  	s2 =	sadd.s32 s2, s17  }
0x8e: {  	[smem:$0x3FC6] =	sst s2  }
0x8f: {  	_ = 	snop  }
0x90: {  	s2 =	sld [smem:$0x3FC8]  }
0x91: {  	s18 =	sld [smem:$0x3FD0];
	(tm) =	ssettm $0x1  }
0x92: {  	s4 =	sld [smem:$0x3FFB];
	_ =	sdelay $0x3  }
0x93: {  	_ =	strace s4  }
0x94: {  	s4 =	sld [smem:$0x3FFC];
	_ =	sdelay $0x3  }
0x95: {  	_ =	strace s4  }
0x96: {  	s4 =	sld [smem:$0x3FFD];
	_ =	sdelay $0x3  }
0x97: {  	_ =	strace s4  }
0x98: {  	_ =	strace $0x8FFFFFFF  }
0x99: {  	s19 =	sld [smem:$0x3FDB];
	_ =	sdelay $0x1  }
0x9a: {  	s5 =	simm.s32 $_scs_section_size  }
0x9b: {  	s6 =	simm.s32 $_size__tile_overlayer_lowered;
	s7 =	simm.s32 $_tile_overlayer_lowered  }
0x9c: {  	s22 =	simm.s32 $0x1BFF;
	s21 =	sshll.u32 s7, $0x1;
	s4 =	sadd.s32 s5, s19  }
0x9d: {  	s8 =	simm.s32 $0x0;
	s20 =	sshll.u32 s6, $0x1;
	s6 =	sadd.s32 s21, s4  }
0x9e: {  	[timem:s8], [sflag:s22] =	dma.local [hbm:s6], s20  }
0x9f: {  	_ =	swait.ge [sflag:s22], s20  }
0xa0: {  	s5 =	ssub.s32 $0x0, s20;
	[sflag:s22] =	ssyncset.done $0x0  }
0xa1: {  	[sflag:s22] =	ssyncadd.s32 s5;
	_ =	sdelay $0x1  }
0xa2: {  	s23 =	simm.s32 $0x1B8B  }
0xa3: {  	_ =	swait.ge [sflag:s23], $0x1  }
0xa4: {  	[sflag:s23] =	ssyncset.done $0x0  }
0xa5: {  	s25 =	simm.s32 $0x1B8E;
	s24 =	sld [smem:$0x3FFE];
	[sflag:s23] =	ssyncadd.s32 $0xFFFFFFFF  }
0xa6: {  	s26 =	simm.s32 $execute0_lowered;
	[smem:$0x3FD2] =	sst s25  }
0xa7: {  	s6 =	sshll.u32 s26, $0x1;
	_ =	strace $0x80000046;
	[dreg:$0x1] =	wrdreg $0xFFFFFFFF  }
0xa8: {  	s28 =	simm.s32 $_size_execute0_lowered;
	s4 =	sadd.s32 s4, s6;
	[dreg:$0x0] =	wrdreg $0x0  }
0xa9: {  	s6 =	sshll.u32 s28, $0x1;
	[dreg:$0x2] =	wrdreg s4  }
0xaa: {  	[dreg:$0x3] =	wrdreg s6  }
0xab: {  	[dreg:$0x4] =	wrdreg $0xC0  }
0xac: {  	_ =	task [dreg:s8], $0x5FFFF  }
0xad: {  	[dreg:$0x1] =	wrdreg $0xFFFFFFFF  }
0xae: {  	[dreg:$0x0] =	wrdreg $0x60  }
0xaf: {  	[dreg:$0x2] =	wrdreg s2  }
0xb0: {  	[dreg:$0x3] =	wrdreg s24  }
0xb1: {  	[dreg:$0x4] =	wrdreg s18  }
0xb2: {  	[dreg:$0x5] =	wrdreg $0x9  }
0xb3: {  	_ =	task.clear_ibuf [dreg:s8], $0x6FFFF;
	_ =	strace $0x90000046  }
0xb4: {  	s29 =	simm.s32 $0x9;
	_ =	strace $0x80000048  }
0xb5: {  	_ =	swait.ge [sflag:s29], $0x1  }
0xb6: {  	[sflag:s29] =	ssyncadd.s32 $0xFFFFFFFF  }
0xb7: {  	_ =	strace $0x90000048  }
0xb8: {  	_ =	sfence  }
0xb9: {  	s30 =	sld [smem:$0x0];
	_ =	sdelay $0x2  }
0xba: {  	s31 =	sshll.u32 s1, $0xD;
	s1 =	sshrl.u32 s1, $0x2  }
0xbb: {  	s3 =	sand.u32 $0x4000, s31;
	s1 =	sadd.s32 s1, s30  }
0xbc: {  	s0 =	sor.u32 s3, s0;
	s1 =	sshll.u32 s1, $0x11  }
0xbd: {  	s0 =	sor.u32 s1, s0  }
0xbe: {  	s0 =	sadd.s32 $0x8F2B, s0  }
0xbf: {  	[sflag:s0] =	ssyncadd.remote.s32 $0x1  }
0xc0: {  	_ =	sfence.sel $0xFFFF  }
0xc1: {  	[dreg:$0x0] =	wrdreg $0xFFFFFFFF;
	(pc) =	sbr.abs _section_cstart, $3  }
0xc2: {  	[dreg:$0x1] =	wrdreg $0xFFFFFFFF  }
0xc3: {  	_ =	task.clear_ibuf [dreg:s8], $0x2FFFF;
	_ =	strace $0x9FFFFFFF  }
0xc4: {  	(tm) =	ssettm $0x7FFFFFFF  }
0xc5: {  	_ =	shalt  }
tec
execute0_lowered:
.L_overlay_start_1:
0x0: {  	(tag) =	ssettag $0x1  }
0x1: {  	s1 =	rddreg [dreg:$0x0]  }
0x2: {  	s2 =	srdreg.scid;
	s10 =	stileid.u32  }
0x3: {  	s0 =	rddreg [dreg:$0x1];
	s2 =	sand.u32 $0x1, s2;
	s5 =	sshll.u32 s10, $0x1  }
0x4: {  	s4 =	rddreg [dreg:$0x2];
	s3 =	simm.s32 $0x0;
	s5 =	sor.u32 s2, s5  }
0x5: {  	s28 =	simm.s32 $0x9900;
	s30 =	simm.s32 $0xD900;
	s6 =	smul.u32 $0x1900, s5  }
0x6: {  	s29 =	simm.s32 $0x15900;
	s31 =	simm.s32 $0x2;
	s8 =	smul.u32 $0xC8000, s5  }
0x7: {  	[smem:$0x7FF] =	sst s3;
	s7 =	ssub.s32 $0x2, s2;
	s5 =	smul.u32 $0x19000, s5  }
0x8: {  	s20 =	smul.u32 $0x32000, s10;
	_ =	strace $0x80000047;
	s9 =	sshrl.u32 s7, $0x1  }
0x9: {  	s9 =	ssub.s32 s7, s9;
	s6 =	sshrl.u32 s6, $0x3;
	s5 =	sadd.s32 s4, s5  }
0xa: {  	s11 =	sshrl.u32 s8, $0x3;
	s26 =	smax.u32 s9, $0x1;
	[dreg:$0x5] =	wrdreg s5  }
0xb: {  	s0 =	sadd.s32 s6, s0;
	s5 =	sadd.s32 $0x800, s5;
	[dreg:$0x14] =	wrdreg s26  }
0xc: {  	s12 =	sadd.s32 s4, s11;
	s0 =	sadd.s32 $0x400, s0;
	[dreg:$0x6] =	wrdreg s5  }
0xd: {  	s10 =	simm.s32 $0xA;
	s13 =	sadd.s32 $0x1000, s12;
	[dreg:$0x4] =	wrdreg s0  }
0xe: {  	s2 =	smul.u32 $0x19000, s2;
	s14 =	sadd.s32 $0x1800, s12;
	[dreg:$0x7] =	wrdreg s13  }
0xf: {  	s8 =	simm.s32 $0x9;
	s15 =	sadd.s32 $0x2000, s12;
	[dreg:$0x8] =	wrdreg s14  }
0x10: {  	s9 =	simm.s32 $0x5;
	s16 =	sadd.s32 $0x14000, s12;
	[dreg:$0x9] =	wrdreg s15  }
0x11: {  	s4 =	sadd.s32 s20, s4;
	s17 =	sadd.s32 $0x14800, s12;
	[dreg:$0xa] =	wrdreg s16  }
0x12: {  	s26 =	simm.s32 $0x19900;
	s18 =	sadd.s32 $0x15000, s12;
	[dreg:$0xb] =	wrdreg s17  }
0x13: {  	s6 =	simm.s32 $0x8;
	s19 =	sadd.s32 $0x15800, s12;
	[dreg:$0xc] =	wrdreg s18  }
0x14: {  	s11 =	simm.s32 $0x6;
	s7 =	sadd.s32 $0x16000, s12;
	[dreg:$0xd] =	wrdreg s19  }
0x15: {  	s21 =	sadd.s32 $0x16800, s12;
	s22 =	sadd.s32 $0x17000, s12;
	[dreg:$0xe] =	wrdreg s7  }
0x16: {  	s23 =	sadd.s32 $0x17800, s12;
	s24 =	sadd.s32 $0x18000, s12;
	[dreg:$0xf] =	wrdreg s21  }
0x17: {  	s25 =	sadd.s32 s2, s4;
	s2 =	simm.s32 $0x11900;
	[dreg:$0x10] =	wrdreg s22  }
0x18: {  	s4 =	simm.s32 $0x3;
	s5 =	simm.s32 $0xE;
	[dreg:$0x11] =	wrdreg s23  }
0x19: {  	[dreg:$0x12] =	wrdreg s24;
	s0 =	sadd.s32 $0x18800, s12;
	s21 =	sadd.s32 $0x3000, s25  }
0x1a: {  	s22 =	simm.s32 $0xF;
	s23 =	simm.s32 $0x80;
	s24 =	simm.s32 $0x1900  }
0x1b: {  	s25 =	simm.s32 $0x5900;
	s7 =	simm.s32 $0x4;
	s12 =	simm.s32 $0xB  }
0x1c: {  	s13 =	simm.s32 $0x7;
	s14 =	simm.s32 $0xC;
	s15 =	simm.s32 $0xD  }
0x1d: {  	s16 =	simm.s32 $0x0;
	[dreg:$0x13] =	wrdreg s0;
	s0 =	simm.s32 $0x1  }
.LBB2_1:
0x1e: {  	s17 =	rddreg [dreg:$0x4]  }
0x1f: {  	[tilespmem:s3], [sflag:$0xF] =	stream.linear.gather [hbm4b:s17+s3], $0x1900, $0x38;
	[tilespmem:$0x1D900] =	vst v63  }
0x20: {  	_ =	swait.ge [sflag:s22], $0x1900  }
0x21: {  	[sflag:s22] =	ssyncset.done $0x0  }
0x22: {  	[sflag:s22] =	ssyncadd.s32 $0xFFFFE700  }
0x23: {  	[tilespmem:s24], [sflag:$0x1] =	stream.indirect.gather [hbm4b:s1+s23], $0x80, s3, s23, $0xb8;
	[tilespmem:$0x1D900] =	vst v63  }
0x24: {  	_ = 	snop  }
0x25: {  	[tilespmem:s25], [sflag:$0x2] =	stream.indirect.gather [hbm4b:s1+s23], $0x80, s23, s23, $0xb8;
	[tilespmem:$0x1D900] =	vst v63  }
0x26: {  	s20 =	simm.s32 $0x100  }
0x27: {  	[tilespmem:s28], [sflag:$0x3] =	stream.indirect.gather [hbm4b:s1+s23], $0x80, s20, s23, $0xb8;
	[tilespmem:$0x1D900] =	vst v63  }
0x28: {  	s18 =	simm.s32 $0x180  }
0x29: {  	[tilespmem:s30], [sflag:$0x4] =	stream.indirect.gather [hbm4b:s1+s23], $0x80, s18, s23, $0xb8;
	[tilespmem:$0x1D900] =	vst v63  }
0x2a: {  	s19 =	simm.s32 $0x200  }
0x2b: {  	[tilespmem:s2], [sflag:$0x5] =	stream.indirect.gather [hbm4b:s1+s23], $0x80, s19, s23, $0xb8;
	[tilespmem:$0x1D900] =	vst v63  }
0x2c: {  	_ =	swait.ge [sflag:s0], $0x4000  }
0x2d: {  	[sflag:s0] =	ssyncset.done $0x0  }
0x2e: {  	s20 =	rddreg [dreg:$0x5];
	[sflag:s0] =	ssyncadd.s32 $0xFFFFC000  }
0x2f: {  	[hbm4b:s20+s3] =	stream.linear.scatter [tilespmem:s24], [sflag:$0x8], $0x4000, $0x38;
	[tilespmem:$0x1D900] =	vst v63  }
0x30: {  	s18 =	simm.s32 $0x280  }
0x31: {  	[tilespmem:s29], [sflag:$0x6] =	stream.indirect.gather [hbm4b:s1+s23], $0x80, s18, s23, $0xb8;
	[tilespmem:$0x1D900] =	vst v63  }
0x32: {  	_ =	swait.ge [sflag:s31], $0x4000  }
0x33: {  	[sflag:s31] =	ssyncset.done $0x0  }
0x34: {  	s19 =	rddreg [dreg:$0x6];
	[sflag:s31] =	ssyncadd.s32 $0xFFFFC000  }
0x35: {  	[hbm4b:s19+s3] =	stream.linear.scatter [tilespmem:s25], [sflag:$0x9], $0x4000, $0x38;
	[tilespmem:$0x1D900] =	vst v63  }
0x36: {  	s20 =	simm.s32 $0x300  }
0x37: {  	[tilespmem:s26], [sflag:$0x7] =	stream.indirect.gather [hbm4b:s1+s23], $0x80, s20, s23, $0xb8;
	[tilespmem:$0x1D900] =	vst v63  }
0x38: {  	_ =	swait.ge [sflag:s4], $0x4000  }
0x39: {  	[sflag:s4] =	ssyncset.done $0x0  }
0x3a: {  	s18 =	rddreg [dreg:$0x7];
	[sflag:s4] =	ssyncadd.s32 $0xFFFFC000  }
0x3b: {  	[hbm4b:s18+s3] =	stream.linear.scatter [tilespmem:s28], [sflag:$0xA], $0x4000, $0x38;
	[tilespmem:$0x1D900] =	vst v63  }
0x3c: {  	_ =	swait.ge [sflag:s6], $0x4000  }
0x3d: {  	[sflag:s6] =	ssyncset.done $0x0  }
0x3e: {  	s19 =	simm.s32 $0x380;
	[sflag:s6] =	ssyncadd.s32 $0xFFFFC000  }
0x3f: {  	[tilespmem:s24], [sflag:$0x1] =	stream.indirect.gather [hbm4b:s1+s23], $0x80, s19, s23, $0xb8;
	[tilespmem:$0x1D900] =	vst v63  }
0x40: {  	_ =	swait.ge [sflag:s7], $0x4000  }
0x41: {  	[sflag:s7] =	ssyncset.done $0x0  }
0x42: {  	s20 =	rddreg [dreg:$0x8];
	[sflag:s7] =	ssyncadd.s32 $0xFFFFC000  }
0x43: {  	[hbm4b:s20+s3] =	stream.linear.scatter [tilespmem:s30], [sflag:$0xB], $0x4000, $0x38;
	[tilespmem:$0x1D900] =	vst v63  }
0x44: {  	_ =	swait.ge [sflag:s8], $0x4000  }
0x45: {  	[sflag:s8] =	ssyncset.done $0x0  }
0x46: {  	s18 =	simm.s32 $0x400;
	[sflag:s8] =	ssyncadd.s32 $0xFFFFC000  }
0x47: {  	[tilespmem:s25], [sflag:$0x2] =	stream.indirect.gather [hbm4b:s1+s23], $0x80, s18, s23, $0xb8;
	[tilespmem:$0x1D900] =	vst v63  }
0x48: {  	_ =	swait.ge [sflag:s9], $0x4000  }
0x49: {  	[sflag:s9] =	ssyncset.done $0x0  }
0x4a: {  	s19 =	rddreg [dreg:$0x9];
	[sflag:s9] =	ssyncadd.s32 $0xFFFFC000  }
0x4b: {  	[hbm4b:s19+s3] =	stream.linear.scatter [tilespmem:s2], [sflag:$0xC], $0x4000, $0x38;
	[tilespmem:$0x1D900] =	vst v63  }
0x4c: {  	_ =	swait.ge [sflag:s10], $0x4000  }
0x4d: {  	[sflag:s10] =	ssyncset.done $0x0  }
0x4e: {  	s20 =	simm.s32 $0x480;
	[sflag:s10] =	ssyncadd.s32 $0xFFFFC000  }
0x4f: {  	[tilespmem:s28], [sflag:$0x3] =	stream.indirect.gather [hbm4b:s1+s23], $0x80, s20, s23, $0xb8;
	[tilespmem:$0x1D900] =	vst v63  }
0x50: {  	_ =	swait.ge [sflag:s11], $0x4000  }
0x51: {  	[sflag:s11] =	ssyncset.done $0x0  }
0x52: {  	s18 =	sadd.s32 $0xFFFFF800, s21;
	[sflag:s11] =	ssyncadd.s32 $0xFFFFC000  }
0x53: {  	[hbm4b:s18+s3] =	stream.linear.scatter [tilespmem:s29], [sflag:$0xD], $0x4000, $0x38;
	[tilespmem:$0x1D900] =	vst v63  }
0x54: {  	_ =	swait.ge [sflag:s12], $0x4000  }
0x55: {  	[sflag:s12] =	ssyncset.done $0x0  }
0x56: {  	s19 =	simm.s32 $0x500;
	[sflag:s12] =	ssyncadd.s32 $0xFFFFC000  }
0x57: {  	[tilespmem:s30], [sflag:$0x4] =	stream.indirect.gather [hbm4b:s1+s23], $0x80, s19, s23, $0xb8;
	[tilespmem:$0x1D900] =	vst v63  }
0x58: {  	_ =	swait.ge [sflag:s13], $0x4000  }
0x59: {  	[sflag:s13] =	ssyncset.done $0x0  }
0x5a: {  	[sflag:s13] =	ssyncadd.s32 $0xFFFFC000  }
0x5b: {  	[hbm4b:s21+s3] =	stream.linear.scatter [tilespmem:s26], [sflag:$0xE], $0x4000, $0x38;
	[tilespmem:$0x1D900] =	vst v63  }
0x5c: {  	_ =	swait.ge [sflag:s14], $0x4000  }
0x5d: {  	[sflag:s14] =	ssyncset.done $0x0  }
0x5e: {  	s20 =	simm.s32 $0x580;
	[sflag:s14] =	ssyncadd.s32 $0xFFFFC000  }
0x5f: {  	[tilespmem:s2], [sflag:$0x5] =	stream.indirect.gather [hbm4b:s1+s23], $0x80, s20, s23, $0xb8;
	[tilespmem:$0x1D900] =	vst v63  }
0x60: {  	_ =	swait.ge [sflag:s0], $0x4000  }
0x61: {  	[sflag:s0] =	ssyncset.done $0x0  }
0x62: {  	s18 =	sadd.s32 $0x800, s21;
	[sflag:s0] =	ssyncadd.s32 $0xFFFFC000  }
0x63: {  	[hbm4b:s18+s3] =	stream.linear.scatter [tilespmem:s24], [sflag:$0x8], $0x4000, $0x38;
	[tilespmem:$0x1D900] =	vst v63  }
0x64: {  	_ =	swait.ge [sflag:s15], $0x4000  }
0x65: {  	[sflag:s15] =	ssyncset.done $0x0  }
0x66: {  	s19 =	simm.s32 $0x600;
	[sflag:s15] =	ssyncadd.s32 $0xFFFFC000  }
0x67: {  	[tilespmem:s29], [sflag:$0x6] =	stream.indirect.gather [hbm4b:s1+s23], $0x80, s19, s23, $0xb8;
	[tilespmem:$0x1D900] =	vst v63  }
0x68: {  	_ =	swait.ge [sflag:s31], $0x4000  }
0x69: {  	[sflag:s31] =	ssyncset.done $0x0  }
0x6a: {  	s20 =	sadd.s32 $0x1000, s21;
	[sflag:s31] =	ssyncadd.s32 $0xFFFFC000  }
0x6b: {  	[hbm4b:s20+s3] =	stream.linear.scatter [tilespmem:s25], [sflag:$0x9], $0x4000, $0x38;
	[tilespmem:$0x1D900] =	vst v63  }
0x6c: {  	_ =	swait.ge [sflag:s5], $0x4000  }
0x6d: {  	[sflag:s5] =	ssyncset.done $0x0  }
0x6e: {  	s18 =	simm.s32 $0x680;
	[sflag:s5] =	ssyncadd.s32 $0xFFFFC000  }
0x6f: {  	[tilespmem:s26], [sflag:$0x7] =	stream.indirect.gather [hbm4b:s1+s23], $0x80, s18, s23, $0xb8;
	[tilespmem:$0x1D900] =	vst v63  }
0x70: {  	_ =	swait.ge [sflag:s4], $0x4000  }
0x71: {  	[sflag:s4] =	ssyncset.done $0x0  }
0x72: {  	s19 =	sadd.s32 $0x1800, s21;
	[sflag:s4] =	ssyncadd.s32 $0xFFFFC000  }
0x73: {  	[hbm4b:s19+s3] =	stream.linear.scatter [tilespmem:s28], [sflag:$0xA], $0x4000, $0x38;
	[tilespmem:$0x1D900] =	vst v63  }
0x74: {  	_ =	swait.ge [sflag:s6], $0x4000  }
0x75: {  	[sflag:s6] =	ssyncset.done $0x0  }
0x76: {  	s20 =	simm.s32 $0x700;
	[sflag:s6] =	ssyncadd.s32 $0xFFFFC000  }
0x77: {  	[tilespmem:s24], [sflag:$0x1] =	stream.indirect.gather [hbm4b:s1+s23], $0x80, s20, s23, $0xb8;
	[tilespmem:$0x1D900] =	vst v63  }
0x78: {  	_ =	swait.ge [sflag:s7], $0x4000  }
0x79: {  	[sflag:s7] =	ssyncset.done $0x0  }
0x7a: {  	s18 =	sadd.s32 $0x2000, s21;
	[sflag:s7] =	ssyncadd.s32 $0xFFFFC000  }
0x7b: {  	[hbm4b:s18+s3] =	stream.linear.scatter [tilespmem:s30], [sflag:$0xB], $0x4000, $0x38;
	[tilespmem:$0x1D900] =	vst v63  }
0x7c: {  	_ =	swait.ge [sflag:s8], $0x4000  }
0x7d: {  	[sflag:s8] =	ssyncset.done $0x0  }
0x7e: {  	s19 =	simm.s32 $0x780;
	[sflag:s8] =	ssyncadd.s32 $0xFFFFC000  }
0x7f: {  	[tilespmem:s25], [sflag:$0x2] =	stream.indirect.gather [hbm4b:s1+s23], $0x80, s19, s23, $0xb8;
	[tilespmem:$0x1D900] =	vst v63  }
0x80: {  	_ =	swait.ge [sflag:s9], $0x4000  }
0x81: {  	[sflag:s9] =	ssyncset.done $0x0  }
0x82: {  	s20 =	sadd.s32 $0x2800, s21;
	[sflag:s9] =	ssyncadd.s32 $0xFFFFC000  }
0x83: {  	[hbm4b:s20+s3] =	stream.linear.scatter [tilespmem:s2], [sflag:$0xC], $0x4000, $0x38;
	[tilespmem:$0x1D900] =	vst v63  }
0x84: {  	_ =	swait.ge [sflag:s10], $0x4000  }
0x85: {  	s17 =	simm.s32 $0xE00;
	[sflag:s10] =	ssyncset.done $0x0  }
0x86: {  	s18 =	sadd.s32 $0x3800, s21;
	s19 =	simm.s32 $0x800;
	[sflag:s10] =	ssyncadd.s32 $0xFFFFC000  }
.LBB2_2:
0x87: {  	[tilespmem:s28], [sflag:$0x3] =	stream.indirect.gather [hbm4b:s1+s23], $0x80, s19, s23, $0xb8;
	[tilespmem:$0x1D900] =	vst v63  }
0x88: {  	s19 =	smov.u32 s17  }
0x89: {  	p0 =	sne.s32 s17, $0x3800;
	s17 =	sadd.s32 $0xE00, s17;
	_ =	swait.ge [sflag:s11], $0x4000  }
0x8a: {  	[sflag:s11] =	ssyncset.done $0x0  }
0x8b: {  	s20 =	sadd.s32 $0xFFFFF800, s18;
	[sflag:s11] =	ssyncadd.s32 $0xFFFFC000  }
0x8c: {  	[hbm4b:s20+s3] =	stream.linear.scatter [tilespmem:s29], [sflag:$0xD], $0x4000, $0x38;
	[tilespmem:$0x1D900] =	vst v63  }
0x8d: {  	_ =	swait.ge [sflag:s12], $0x4000  }
0x8e: {  	s19 =	sshra.s32 s19, $0x2;
	[sflag:s12] =	ssyncset.done $0x0  }
0x8f: {  	s20 =	sadd.s32 $0x500, s19;
	[sflag:s12] =	ssyncadd.s32 $0xFFFFC000  }
0x90: {  	[tilespmem:s30], [sflag:$0x4] =	stream.indirect.gather [hbm4b:s1+s23], $0x80, s20, s23, $0xb8;
	[tilespmem:$0x1D900] =	vst v63  }
0x91: {  	_ =	swait.ge [sflag:s13], $0x4000  }
0x92: {  	[sflag:s13] =	ssyncset.done $0x0  }
0x93: {  	[sflag:s13] =	ssyncadd.s32 $0xFFFFC000  }
0x94: {  	[hbm4b:s18+s3] =	stream.linear.scatter [tilespmem:s26], [sflag:$0xE], $0x4000, $0x38;
	[tilespmem:$0x1D900] =	vst v63  }
0x95: {  	_ =	swait.ge [sflag:s14], $0x4000  }
0x96: {  	[sflag:s14] =	ssyncset.done $0x0  }
0x97: {  	s20 =	sadd.s32 $0x580, s19;
	[sflag:s14] =	ssyncadd.s32 $0xFFFFC000  }
0x98: {  	[tilespmem:s2], [sflag:$0x5] =	stream.indirect.gather [hbm4b:s1+s23], $0x80, s20, s23, $0xb8;
	[tilespmem:$0x1D900] =	vst v63  }
0x99: {  	_ =	swait.ge [sflag:s0], $0x4000  }
0x9a: {  	[sflag:s0] =	ssyncset.done $0x0  }
0x9b: {  	s20 =	sadd.s32 $0x800, s18;
	[sflag:s0] =	ssyncadd.s32 $0xFFFFC000  }
0x9c: {  	[hbm4b:s20+s3] =	stream.linear.scatter [tilespmem:s24], [sflag:$0x8], $0x4000, $0x38;
	[tilespmem:$0x1D900] =	vst v63  }
0x9d: {  	_ =	swait.ge [sflag:s15], $0x4000  }
0x9e: {  	[sflag:s15] =	ssyncset.done $0x0  }
0x9f: {  	s20 =	sadd.s32 $0x600, s19;
	[sflag:s15] =	ssyncadd.s32 $0xFFFFC000  }
0xa0: {  	[tilespmem:s29], [sflag:$0x6] =	stream.indirect.gather [hbm4b:s1+s23], $0x80, s20, s23, $0xb8;
	[tilespmem:$0x1D900] =	vst v63  }
0xa1: {  	_ =	swait.ge [sflag:s31], $0x4000  }
0xa2: {  	[sflag:s31] =	ssyncset.done $0x0  }
0xa3: {  	s20 =	sadd.s32 $0x1000, s18;
	[sflag:s31] =	ssyncadd.s32 $0xFFFFC000  }
0xa4: {  	[hbm4b:s20+s3] =	stream.linear.scatter [tilespmem:s25], [sflag:$0x9], $0x4000, $0x38;
	[tilespmem:$0x1D900] =	vst v63  }
0xa5: {  	_ =	swait.ge [sflag:s5], $0x4000  }
0xa6: {  	[sflag:s5] =	ssyncset.done $0x0  }
0xa7: {  	s20 =	sadd.s32 $0x680, s19;
	[sflag:s5] =	ssyncadd.s32 $0xFFFFC000  }
0xa8: {  	[tilespmem:s26], [sflag:$0x7] =	stream.indirect.gather [hbm4b:s1+s23], $0x80, s20, s23, $0xb8;
	[tilespmem:$0x1D900] =	vst v63  }
0xa9: {  	_ =	swait.ge [sflag:s4], $0x4000  }
0xaa: {  	[sflag:s4] =	ssyncset.done $0x0  }
0xab: {  	s20 =	sadd.s32 $0x1800, s18;
	[sflag:s4] =	ssyncadd.s32 $0xFFFFC000  }
0xac: {  	[hbm4b:s20+s3] =	stream.linear.scatter [tilespmem:s28], [sflag:$0xA], $0x4000, $0x38;
	[tilespmem:$0x1D900] =	vst v63  }
0xad: {  	_ =	swait.ge [sflag:s6], $0x4000  }
0xae: {  	[sflag:s6] =	ssyncset.done $0x0  }
0xaf: {  	s20 =	sadd.s32 $0x700, s19;
	[sflag:s6] =	ssyncadd.s32 $0xFFFFC000  }
0xb0: {  	[tilespmem:s24], [sflag:$0x1] =	stream.indirect.gather [hbm4b:s1+s23], $0x80, s20, s23, $0xb8;
	[tilespmem:$0x1D900] =	vst v63  }
0xb1: {  	_ =	swait.ge [sflag:s7], $0x4000  }
0xb2: {  	[sflag:s7] =	ssyncset.done $0x0  }
0xb3: {  	s20 =	sadd.s32 $0x2000, s18;
	[sflag:s7] =	ssyncadd.s32 $0xFFFFC000  }
0xb4: {  	[hbm4b:s20+s3] =	stream.linear.scatter [tilespmem:s30], [sflag:$0xB], $0x4000, $0x38;
	[tilespmem:$0x1D900] =	vst v63  }
0xb5: {  	_ =	swait.ge [sflag:s8], $0x4000  }
0xb6: {  	[sflag:s8] =	ssyncset.done $0x0  }
0xb7: {  	s20 =	sadd.s32 $0x780, s19;
	[sflag:s8] =	ssyncadd.s32 $0xFFFFC000  }
0xb8: {  	[tilespmem:s25], [sflag:$0x2] =	stream.indirect.gather [hbm4b:s1+s23], $0x80, s20, s23, $0xb8;
	[tilespmem:$0x1D900] =	vst v63  }
0xb9: {  	_ =	swait.ge [sflag:s9], $0x4000  }
0xba: {  	[sflag:s9] =	ssyncset.done $0x0  }
.Ltmp0:
0xbb: {  	s20 =	sadd.s32 $0x2800, s18;
	[sflag:s9] =	ssyncadd.s32 $0xFFFFC000;
	(pc) =	sbr.rel @p0 .LBB2_2-.Ltmp0, $4  }
0xbc: {  	[hbm4b:s20+s3] =	stream.linear.scatter [tilespmem:s2], [sflag:$0xC], $0x4000, $0x38;
	[tilespmem:$0x1D900] =	vst v63  }
0xbd: {  	_ =	swait.ge [sflag:s10], $0x4000  }
0xbe: {  	[sflag:s10] =	ssyncset.done $0x0  }
0xbf: {  	s19 =	sadd.s32 $0x800, s19;
	s18 =	sadd.s32 $0x3800, s18;
	[sflag:s10] =	ssyncadd.s32 $0xFFFFC000  }
0xc0: {  	[tilespmem:s28], [sflag:$0x3] =	stream.indirect.gather [hbm4b:s1+s23], $0x80, s19, s23, $0xb8;
	[tilespmem:$0x1D900] =	vst v63  }
0xc1: {  	_ =	swait.ge [sflag:s11], $0x4000  }
0xc2: {  	[sflag:s11] =	ssyncset.done $0x0  }
0xc3: {  	s17 =	rddreg [dreg:$0xa];
	[sflag:s11] =	ssyncadd.s32 $0xFFFFC000  }
0xc4: {  	[hbm4b:s17+s3] =	stream.linear.scatter [tilespmem:s29], [sflag:$0xD], $0x4000, $0x38;
	[tilespmem:$0x1D900] =	vst v63  }
0xc5: {  	_ =	swait.ge [sflag:s12], $0x4000  }
0xc6: {  	[sflag:s12] =	ssyncset.done $0x0  }
0xc7: {  	s18 =	simm.s32 $0x1680;
	[sflag:s12] =	ssyncadd.s32 $0xFFFFC000  }
0xc8: {  	[tilespmem:s30], [sflag:$0x4] =	stream.indirect.gather [hbm4b:s1+s23], $0x80, s18, s23, $0xb8;
	[tilespmem:$0x1D900] =	vst v63  }
0xc9: {  	_ =	swait.ge [sflag:s13], $0x4000  }
0xca: {  	[sflag:s13] =	ssyncset.done $0x0  }
0xcb: {  	s19 =	rddreg [dreg:$0xb];
	[sflag:s13] =	ssyncadd.s32 $0xFFFFC000  }
0xcc: {  	[hbm4b:s19+s3] =	stream.linear.scatter [tilespmem:s26], [sflag:$0xE], $0x4000, $0x38;
	[tilespmem:$0x1D900] =	vst v63  }
0xcd: {  	_ =	swait.ge [sflag:s14], $0x4000  }
0xce: {  	[sflag:s14] =	ssyncset.done $0x0  }
0xcf: {  	s20 =	simm.s32 $0x1700;
	[sflag:s14] =	ssyncadd.s32 $0xFFFFC000  }
0xd0: {  	[tilespmem:s2], [sflag:$0x5] =	stream.indirect.gather [hbm4b:s1+s23], $0x80, s20, s23, $0xb8;
	[tilespmem:$0x1D900] =	vst v63  }
0xd1: {  	_ =	swait.ge [sflag:s0], $0x4000  }
0xd2: {  	[sflag:s0] =	ssyncset.done $0x0  }
0xd3: {  	s18 =	rddreg [dreg:$0xc];
	[sflag:s0] =	ssyncadd.s32 $0xFFFFC000  }
0xd4: {  	[hbm4b:s18+s3] =	stream.linear.scatter [tilespmem:s24], [sflag:$0x8], $0x4000, $0x38;
	[tilespmem:$0x1D900] =	vst v63  }
0xd5: {  	_ =	swait.ge [sflag:s15], $0x4000  }
0xd6: {  	[sflag:s15] =	ssyncset.done $0x0  }
0xd7: {  	s19 =	simm.s32 $0x1780;
	[sflag:s15] =	ssyncadd.s32 $0xFFFFC000  }
0xd8: {  	[tilespmem:s29], [sflag:$0x6] =	stream.indirect.gather [hbm4b:s1+s23], $0x80, s19, s23, $0xb8;
	[tilespmem:$0x1D900] =	vst v63  }
0xd9: {  	_ =	swait.ge [sflag:s31], $0x4000  }
0xda: {  	[sflag:s31] =	ssyncset.done $0x0  }
0xdb: {  	s20 =	rddreg [dreg:$0xd];
	[sflag:s31] =	ssyncadd.s32 $0xFFFFC000  }
0xdc: {  	[hbm4b:s20+s3] =	stream.linear.scatter [tilespmem:s25], [sflag:$0x9], $0x4000, $0x38;
	[tilespmem:$0x1D900] =	vst v63  }
0xdd: {  	_ =	swait.ge [sflag:s5], $0x4000  }
0xde: {  	[sflag:s5] =	ssyncset.done $0x0  }
0xdf: {  	s18 =	simm.s32 $0x1800;
	[sflag:s5] =	ssyncadd.s32 $0xFFFFC000  }
0xe0: {  	[tilespmem:s26], [sflag:$0x7] =	stream.indirect.gather [hbm4b:s1+s23], $0x80, s18, s23, $0xb8;
	[tilespmem:$0x1D900] =	vst v63  }
0xe1: {  	_ =	swait.ge [sflag:s4], $0x4000  }
0xe2: {  	[sflag:s4] =	ssyncset.done $0x0  }
0xe3: {  	s19 =	rddreg [dreg:$0xe];
	[sflag:s4] =	ssyncadd.s32 $0xFFFFC000  }
0xe4: {  	[hbm4b:s19+s3] =	stream.linear.scatter [tilespmem:s28], [sflag:$0xA], $0x4000, $0x38;
	[tilespmem:$0x1D900] =	vst v63  }
0xe5: {  	_ =	swait.ge [sflag:s6], $0x4000  }
0xe6: {  	[sflag:s6] =	ssyncset.done $0x0  }
0xe7: {  	s20 =	simm.s32 $0x1880;
	[sflag:s6] =	ssyncadd.s32 $0xFFFFC000  }
0xe8: {  	[tilespmem:s24], [sflag:$0x1] =	stream.indirect.gather [hbm4b:s1+s23], $0x80, s20, s23, $0xb8;
	[tilespmem:$0x1D900] =	vst v63  }
0xe9: {  	_ =	swait.ge [sflag:s7], $0x4000  }
0xea: {  	[sflag:s7] =	ssyncset.done $0x0  }
0xeb: {  	s18 =	rddreg [dreg:$0xf];
	[sflag:s7] =	ssyncadd.s32 $0xFFFFC000  }
0xec: {  	[hbm4b:s18+s3] =	stream.linear.scatter [tilespmem:s30], [sflag:$0xB], $0x4000, $0x38;
	[tilespmem:$0x1D900] =	vst v63  }
0xed: {  	_ =	swait.ge [sflag:s8], $0x4000  }
0xee: {  	[sflag:s8] =	ssyncset.done $0x0  }
0xef: {  	[sflag:s8] =	ssyncadd.s32 $0xFFFFC000  }
0xf0: {  	_ =	swait.ge [sflag:s9], $0x4000  }
0xf1: {  	[sflag:s9] =	ssyncset.done $0x0  }
0xf2: {  	s19 =	rddreg [dreg:$0x10];
	[sflag:s9] =	ssyncadd.s32 $0xFFFFC000  }
0xf3: {  	[hbm4b:s19+s3] =	stream.linear.scatter [tilespmem:s2], [sflag:$0xC], $0x4000, $0x38;
	[tilespmem:$0x1D900] =	vst v63  }
0xf4: {  	_ =	swait.ge [sflag:s10], $0x4000  }
0xf5: {  	[sflag:s10] =	ssyncset.done $0x0  }
0xf6: {  	[sflag:s10] =	ssyncadd.s32 $0xFFFFC000  }
0xf7: {  	_ =	swait.ge [sflag:s11], $0x4000  }
0xf8: {  	[sflag:s11] =	ssyncset.done $0x0  }
0xf9: {  	s20 =	rddreg [dreg:$0x11];
	[sflag:s11] =	ssyncadd.s32 $0xFFFFC000  }
0xfa: {  	[hbm4b:s20+s3] =	stream.linear.scatter [tilespmem:s29], [sflag:$0xD], $0x4000, $0x38;
	[tilespmem:$0x1D900] =	vst v63  }
0xfb: {  	_ =	swait.ge [sflag:s12], $0x4000  }
0xfc: {  	[sflag:s12] =	ssyncset.done $0x0  }
0xfd: {  	[sflag:s12] =	ssyncadd.s32 $0xFFFFC000  }
0xfe: {  	_ =	swait.ge [sflag:s13], $0x4000  }
0xff: {  	[sflag:s13] =	ssyncset.done $0x0  }
0x100: {  	s18 =	rddreg [dreg:$0x12];
	[sflag:s13] =	ssyncadd.s32 $0xFFFFC000  }
0x101: {  	[hbm4b:s18+s3] =	stream.linear.scatter [tilespmem:s26], [sflag:$0xE], $0x4000, $0x38;
	[tilespmem:$0x1D900] =	vst v63  }
0x102: {  	_ =	swait.ge [sflag:s14], $0x4000  }
0x103: {  	[sflag:s14] =	ssyncset.done $0x0  }
0x104: {  	[sflag:s14] =	ssyncadd.s32 $0xFFFFC000  }
0x105: {  	_ =	swait.ge [sflag:s0], $0x4000  }
0x106: {  	[sflag:s0] =	ssyncset.done $0x0  }
0x107: {  	s19 =	rddreg [dreg:$0x13];
	[sflag:s0] =	ssyncadd.s32 $0xFFFFC000  }
0x108: {  	[hbm4b:s19+s3] =	stream.linear.scatter [tilespmem:s24], [sflag:$0x8], $0x4000, $0x38;
	[tilespmem:$0x1D900] =	vst v63  }
0x109: {  	_ =	swait.ge [sflag:s15], $0x4000  }
0x10a: {  	[sflag:s15] =	ssyncset.done $0x0  }
0x10b: {  	[sflag:s15] =	ssyncadd.s32 $0xFFFFC000  }
0x10c: {  	_ =	swait.ge [sflag:s5], $0x4000  }
0x10d: {  	[sflag:s5] =	ssyncset.done $0x0  }
0x10e: {  	[sflag:s5] =	ssyncadd.s32 $0xFFFFC000  }
0x10f: {  	_ =	swait.ge [sflag:s6], $0x4000  }
0x110: {  	s16 =	sadd.s32 $0x1, s16;
	s20 =	rddreg [dreg:$0x14]  }
0x111: {  	p0 =	sne.s32 s16, s20  }
.Ltmp1:
0x112: {  	_ = 	snop;
	(pc) =	sbr.rel @p0 .LBB2_1-.Ltmp1, $3  }
0x113: {  	_ =	sdelay $0x1  }
0x114: {  	[sflag:s6] =	ssyncset.done $0x0  }
0x115: {  	[sflag:s6] =	ssyncadd.s32 $0xFFFFC000  }
0x116: {  	_ =	sfence.sel $0x180000  }
0x117: {  	[bflag:$0x0] =	sbarrier.arrive $0xFFFF  }
0x118: {  	_ =	strace $0x90000047  }
0x119: {  	s0 =	stileid.u32;
	[bflag:$0x2] =	sbarrier.arrive $0xFFFF  }
0x11a: {  	p0 =	sne.s32 s0, $0x0;
	s0 =	rddreg [dreg:$0x3]  }
0x11b: {  	s0 =	sadd.s32 @!p0 $0x100000, s0  }
0x11c: {  	[sflag:s0] =	ssyncadd.tile.s32 @!p0 $0x1;
	_ =	shalt  }
.Lfunc_end2:
_tile_overlayer_lowered:
.L_overlay_start_2:
0x11d: {  	(tag) =	ssettag $0x2  }
0x11e: {  	s0 =	rddreg [dreg:$0x0];
	s2 =	stileid.u32  }
0x11f: {  	s1 =	rddreg [dreg:$0x1];
	p0 =	sne.s32 s2, $0x0  }
0x120: {  	s3 =	rddreg [dreg:$0x2];
	[bflag:$0x3] =	sbarrier.arrive $0xFFFF;
	s2 =	simm.s32 @!p0 $0x1C0F  }
0x121: {  	[timem:s3], [sflag:s2] =	dma.local @!p0 [hbm:s0], s1  }
0x122: {  	s0 =	simm.s32 @!p0 $0xF  }
0x123: {  	_ =	swait.ge @!p0 [sflag:s0], s1  }
0x124: {  	s1 =	ssub.s32 @!p0 $0x0, s1;
	[sflag:s0] =	ssyncset.done @!p0 $0x0  }
0x125: {  	[sflag:s0] =	ssyncadd.s32 @!p0 s1  }
0x126: {  	[bflag:$0x3] =	sbarrier.arrive $0xFFFF  }
0x127: {  	_ =	shalt  }

</sc_bundles>
